<compile_context>
chip_gen: v7x
topology: tpu7x:2x2x1
jax: 0.10.2.dev20260603
libtpu: 0.0.44.dev20260713+nightly
codegen_flags: <defaults>
</compile_context>

<pallas_src>
import jax
import jax.numpy as jnp
from jax import lax
from jax.experimental import pallas as pl
from jax.experimental.pallas import tpu as pltpu
from jax.experimental.pallas import tpu_sc as plsc

B = 4
N = 16384
K = 2048
NTILE = 8
SHARD = N // NTILE
CH = SHARD // 16
UNROLL = 4
BIGF = 3.0e38


def _fps_body(pts_hbm, out_hbm, pts_v, xs, ys, zs, dd, cand_v, candblk,
              outbuf, packed, shared):
    c = lax.axis_index("c")
    s = lax.axis_index("s")
    g = s // NTILE
    r = s % NTILE
    b = c * 2 + g
    base = r * SHARD
    is_r0 = r == 0

    lanes = jnp.arange(16, dtype=jnp.int32)
    zeros16 = jnp.zeros(16, jnp.int32)
    ones16 = jnp.ones(16, jnp.int32)
    twos16 = jnp.full(16, 2, jnp.int32)
    coord_sel = jnp.clip(lanes - 2, 0, 2)
    perms = [lanes ^ k for k in (1, 2, 4, 8)]

    def bfly_argmax(v, i, extra=None):
        for perm in perms:
            vo = jnp.take_along_axis(v, perm, axis=0)
            io = jnp.take_along_axis(i, perm, axis=0)
            t = (vo > v) | ((vo == v) & (io < i))
            v = jnp.where(t, vo, v)
            i = jnp.where(t, io, i)
            if extra is not None:
                eo = jnp.take_along_axis(extra, perm, axis=0)
                extra = jnp.where(t, eo, extra)
        return v, i, extra

    pltpu.sync_copy(pts_hbm.at[b, pl.ds(base, SHARD), :], pts_v)

    def sep(j, _):
        rows = j * 16 + lanes
        sl = pl.ds(j * 16, 16)
        xs[sl] = plsc.load_gather(pts_v, [rows, zeros16])
        ys[sl] = plsc.load_gather(pts_v, [rows, ones16])
        zs[sl] = plsc.load_gather(pts_v, [rows, twos16])
        dd[sl] = jnp.full((16,), 1e10, jnp.float32)
        return 0
    lax.fori_loop(0, CH, sep, 0)

    def publish(val, gif, lidx, p):
        lidxv = zeros16 + lidx
        coords = plsc.load_gather(pts_v, [lidxv, coord_sel])
        cand = jnp.where(lanes == 0, val,
                         jnp.where(lanes == 1, gif, coords))
        cand_v[...] = cand
        pltpu.sync_copy(cand_v, shared.at[p, s])
        plsc.subcore_barrier()

    def merge(p):
        pltpu.sync_copy(shared.at[p, pl.ds(g * NTILE, NTILE)], candblk)
        row_sel = lanes & (NTILE - 1)
        vals = plsc.load_gather(candblk, [row_sel, zeros16])
        idxf = plsc.load_gather(candblk, [row_sel, ones16])
        _, _, rowv = bfly_argmax(vals, idxf, row_sel)
        return plsc.load_gather(candblk, [rowv, lanes])

    publish(jnp.where(is_r0, 1.0, 0.0).astype(jnp.float32),
            jnp.where(is_r0, 0.0, BIGF).astype(jnp.float32),
            jnp.int32(0), 0)
    wrow0 = merge(0)
    outbuf[pl.ds(0, 16)] = wrow0

    def step(i, carry):
        lx, ly, lz = carry

        rm0 = jnp.full((16,), -1.0, jnp.float32)

        @plsc.parallel_loop(0, CH, unroll=UNROLL, carry=(rm0, zeros16))
        def upd(j, mcarry):
            rm, ri = mcarry
            sl = pl.ds(j * 16, 16)
            dx = xs[sl] - lx
            dy = ys[sl] - ly
            dz = zs[sl] - lz
            d = (dx * dx + dy * dy) + dz * dz
            dmin = jnp.minimum(dd[sl], d)
            dd[sl] = dmin
            iv = j * 16 + lanes
            take = (dmin > rm) | ((dmin == rm) & (iv < ri))
            rm = jnp.where(take, dmin, rm)
            ri = jnp.where(take, iv, ri)
            return rm, ri

        rm, ri = upd

        rmw, riw, _ = bfly_argmax(rm, ri)
        maxv = rmw[0]
        lidx = riw[0]
        p = i & 1
        publish(maxv, (base + lidx).astype(jnp.float32), lidx, p)
        wrow = merge(p)
        outbuf[pl.ds(i * 16, 16)] = wrow
        return wrow[2], wrow[3], wrow[4]

    lax.fori_loop(1, K, step, (wrow0[2], wrow0[3], wrow0[4]))

    def pack(j, _):
        rows = j * 16 + lanes
        x = plsc.load_gather(outbuf, [rows * 16 + 2])
        y = plsc.load_gather(outbuf, [rows * 16 + 3])
        z = plsc.load_gather(outbuf, [rows * 16 + 4])
        plsc.store_scatter(packed, [rows, zeros16], x)
        plsc.store_scatter(packed, [rows, ones16], y)
        plsc.store_scatter(packed, [rows, twos16], z)
        return 0
    lax.fori_loop(0, K // 16, pack, 0)

    @pl.when(is_r0)
    def _():
        pltpu.sync_copy(packed, out_hbm.at[b])


@jax.jit
def _fps(points_list):
    mesh = plsc.VectorSubcoreMesh(core_axis_name="c", subcore_axis_name="s")
    return pl.kernel(
        _fps_body,
        out_type=jax.ShapeDtypeStruct((B, K, 3), jnp.float32),
        mesh=mesh,
        compiler_params=pltpu.CompilerParams(needs_layout_passes=False,
                                             use_tc_tiling_on_sc=False),
        scratch_types=[
            pltpu.VMEM((SHARD, 3), jnp.float32),
            pltpu.VMEM((SHARD,), jnp.float32),
            pltpu.VMEM((SHARD,), jnp.float32),
            pltpu.VMEM((SHARD,), jnp.float32),
            pltpu.VMEM((SHARD,), jnp.float32),
            pltpu.VMEM((16,), jnp.float32),
            pltpu.VMEM((NTILE, 16), jnp.float32),
            pltpu.VMEM((K * 16,), jnp.float32),
            pltpu.VMEM((K, 3), jnp.float32),
            pltpu.VMEM_SHARED((2, 16, 16), jnp.float32),
        ],
    )(points_list)


def kernel(points_list):
    return _fps(points_list)

# --- scband reference (transcript-rebuilt; emitter-appended) ---
"""Pipeline reference for scband-fpssampler-9732395893060 (READ-ONLY COPY).

The authoritative reference and input builder live on the scoring server;
editing this copy changes nothing except your own understanding.
"""

import jax, jax.numpy as jnp
import numpy as np

NUM_KEYPOINTS = 2048


def _fps_single(points, K):
    # Furthest point sampling (PointNet++ D-FPS): seed index 0, iteratively pick
    # the point with max min-distance to the already-selected set.
    N = points.shape[0]
    dists0 = jnp.full((N,), 1e10, dtype=points.dtype)
    idxs0 = jnp.zeros((K,), dtype=jnp.int32)

    def body(i, carry):
        dists, idxs = carry
        last = points[idxs[i - 1]]
        d = jnp.sum((points - last) ** 2, axis=1)
        dists = jnp.minimum(dists, d)
        nxt = jnp.argmax(dists).astype(jnp.int32)
        idxs = idxs.at[i].set(nxt)
        return (dists, idxs)

    _, idxs = jax.lax.fori_loop(1, K, body, (dists0, idxs0))
    return idxs


def setup_inputs(seed: int = 0) -> dict:
    key = jax.random.key(seed)
    # B=4 point clouds, 16384 points each, xyz coords (scaled to realistic LiDAR range)
    points_list = jax.random.normal(key, (4, 16384, 3), dtype=jnp.float32) * 20.0
    return {"points_list": points_list}


def reference(points_list):
    # points_list: float32[B, N, 3]; iterating a [B, N, 3] tensor matches the
    # torch List[Tensor] semantics (each element is a [N, 3] cloud).
    K = NUM_KEYPOINTS
    # N (16384) >= K (2048) so the repeat-padding branch of the torch module is a no-op.
    idxs = jax.vmap(lambda p: _fps_single(p, K))(points_list)          # int32[B, K]
    sampled = jax.vmap(lambda p, i: jnp.take(p, i, axis=0))(points_list, idxs)  # [B, K, 3]
    return sampled

if __name__ == "__main__":
    import jax
    _d = setup_inputs()
    print(jax.jit(kernel)(*tuple(_d.values())))

</pallas_src>

<mosaic_0001>
#map = affine_map<(d0, d1) -> (0, 0, 0)>
module attributes {stable_mosaic.version = 14 : i64} {
  func.func @_fps_body(%arg0: i32, %arg1: i32, %arg2: memref<4x16384x3xf32, #tpu.memory_space<hbm>>, %arg3: memref<4x2048x3xf32, #tpu.memory_space<hbm>>, %arg4: memref<2048x3xf32, #tpu.memory_space<vmem>>, %arg5: memref<2048xf32, #tpu.memory_space<vmem>>, %arg6: memref<2048xf32, #tpu.memory_space<vmem>>, %arg7: memref<2048xf32, #tpu.memory_space<vmem>>, %arg8: memref<2048xf32, #tpu.memory_space<vmem>>, %arg9: memref<16xf32, #tpu.memory_space<vmem>>, %arg10: memref<8x16xf32, #tpu.memory_space<vmem>>, %arg11: memref<32768xf32, #tpu.memory_space<vmem>>, %arg12: memref<2048x3xf32, #tpu.memory_space<vmem>>, %arg13: memref<2x16x16xf32, #tpu.memory_space<vmem_shared>>) attributes {dimension_semantics = [#tpu.dimension_semantics<core_parallel>, #tpu.dimension_semantics<subcore_parallel>], iteration_bounds = array<i64: 2, 16>, scalar_prefetch = 0 : i64, scratch_operands = 10 : i64, tpu.core_type = #tpu.core_type<sc_vector_subcore>, window_params = [{transform_indices = #map}, {transform_indices = #map}]} {
    %jit3A = arith.constant 8 : i32
    %div3A = arith.divsi %arg1, %jit3A : i32
    %sign3A = arith.constant 0 : i32
    %sign3A_0 = arith.cmpi sgt, %arg1, %sign3A : i32
    %sign3A_1 = arith.extui %sign3A_0 : i1 to i32
    %sign3A_2 = arith.constant 0 : i32
    %sign3A_3 = arith.cmpi slt, %arg1, %sign3A_2 : i32
    %sign3A_4 = arith.extui %sign3A_3 : i1 to i32
    %sign3A_5 = arith.subi %sign3A_1, %sign3A_4 : i32
    %sign3A_6 = arith.constant 0 : i32
    %sign3A_7 = arith.cmpi sgt, %jit3A, %sign3A_6 : i32
    %sign3A_8 = arith.extui %sign3A_7 : i1 to i32
    %sign3A_9 = arith.constant 0 : i32
    %sign3A_10 = arith.cmpi slt, %jit3A, %sign3A_9 : i32
    %sign3A_11 = arith.extui %sign3A_10 : i1 to i32
    %sign3A_12 = arith.subi %sign3A_8, %sign3A_11 : i32
    %ne3A = arith.cmpi ne, %sign3A_5, %sign3A_12 : i32
    %rem3A = arith.remsi %arg1, %jit3A : i32
    %ne3A_13 = arith.constant 0 : i32
    %ne3A_14 = arith.cmpi ne, %rem3A, %ne3A_13 : i32
    %and3A = arith.andi %ne3A, %ne3A_14 : i1
    %sub3A = arith.constant 1 : i32
    %sub3A_15 = arith.subi %div3A, %sub3A : i32
    %select_n3A = arith.select %and3A, %sub3A_15, %div3A : i32
    %jit3A_16 = arith.constant 8 : i32
    %eq3A = arith.constant 0 : i32
    %eq3A_17 = arith.cmpi eq, %jit3A_16, %eq3A : i32
    %jit3A_18 = arith.constant 1 : i32
    %select_n3A_19 = arith.select %eq3A_17, %jit3A_18, %jit3A_16 : i32
    %rem3A_20 = arith.remsi %arg1, %select_n3A_19 : i32
    %ne3A_21 = arith.constant 0 : i32
    %ne3A_22 = arith.cmpi ne, %rem3A_20, %ne3A_21 : i32
    %lt3A = arith.constant 0 : i32
    %lt3A_23 = arith.cmpi slt, %rem3A_20, %lt3A : i32
    %lt3A_24 = arith.constant 0 : i32
    %lt3A_25 = arith.cmpi slt, %select_n3A_19, %lt3A_24 : i32
    %ne3A_26 = arith.xori %lt3A_23, %lt3A_25 : i1
    %and3A_27 = arith.andi %ne3A_26, %ne3A_22 : i1
    %add3A = arith.addi %rem3A_20, %select_n3A_19 : i32
    %select_n3A_28 = arith.select %and3A_27, %add3A, %rem3A_20 : i32
    %mul3A = arith.constant 2 : i32
    %mul3A_29 = arith.muli %arg0, %mul3A : i32
    %add3A_30 = arith.addi %mul3A_29, %select_n3A : i32
    %mul3A_31 = arith.constant 2048 : i32
    %mul3A_32 = arith.muli %select_n3A_28, %mul3A_31 : i32
    %eq3A_33 = arith.constant 0 : i32
    %eq3A_34 = arith.cmpi eq, %select_n3A_28, %eq3A_33 : i32
    %iota3A = tpu.iota {dimensions = array<i32: 0>} : vector<16xi32>
    %broadcast_in_dim3A = arith.constant 0 : i32
    %broadcast_in_dim3A_35 = vector.broadcast %broadcast_in_dim3A : i32 to vector<16xi32>
    %broadcast_in_dim3A_36 = arith.constant 1 : i32
    %broadcast_in_dim3A_37 = vector.broadcast %broadcast_in_dim3A_36 : i32 to vector<16xi32>
    %broadcast_in_dim3A_38 = arith.constant 2 : i32
    %broadcast_in_dim3A_39 = vector.broadcast %broadcast_in_dim3A_38 : i32 to vector<16xi32>
    %sub3A_40 = arith.constant 2 : i32
    %sub3A_41 = vector.broadcast %sub3A_40 : i32 to vector<16xi32>
    %sub3A_42 = arith.subi %iota3A, %sub3A_41 : vector<16xi32>
    %jit3A_43 = arith.constant 0 : i32
    %jit3A_44 = arith.constant 2 : i32
    %max3A = vector.broadcast %jit3A_43 : i32 to vector<16xi32>
    %max3A_45 = arith.maxsi %max3A, %sub3A_42 : vector<16xi32>
    %min3A = vector.broadcast %jit3A_44 : i32 to vector<16xi32>
    %min3A_46 = arith.minsi %min3A, %max3A_45 : vector<16xi32>
    %xor3A = arith.constant 1 : i32
    %xor3A_47 = vector.broadcast %xor3A : i32 to vector<16xi32>
    %xor3A_48 = arith.xori %iota3A, %xor3A_47 : vector<16xi32>
    %xor3A_49 = arith.constant 2 : i32
    %xor3A_50 = vector.broadcast %xor3A_49 : i32 to vector<16xi32>
    %xor3A_51 = arith.xori %iota3A, %xor3A_50 : vector<16xi32>
    %xor3A_52 = arith.constant 4 : i32
    %xor3A_53 = vector.broadcast %xor3A_52 : i32 to vector<16xi32>
    %xor3A_54 = arith.xori %iota3A, %xor3A_53 : vector<16xi32>
    %xor3A_55 = arith.constant 8 : i32
    %xor3A_56 = vector.broadcast %xor3A_55 : i32 to vector<16xi32>
    %xor3A_57 = arith.xori %iota3A, %xor3A_56 : vector<16xi32>
    "tpu.region"() ({
      %run_scoped3A_262 = tpu.sem_alloc : memref<!tpu.dma_semaphore, #tpu.memory_space<semaphore_mem>>
      %dma_start3A = arith.constant 0 : i32
      %dma_start3A_263 = tpu.memref_slice %arg2[%add3A_30, %mul3A_32, %dma_start3A] : memref<4x16384x3xf32, #tpu.memory_space<hbm>> -> memref<1x2048x3xf32, #tpu.memory_space<hbm>>
      %dma_start3A_264 = tpu.memref_squeeze %dma_start3A_263 : memref<1x2048x3xf32, #tpu.memory_space<hbm>> -> memref<2048x3xf32, #tpu.memory_space<hbm>>
      %dma_start3A_265 = arith.constant 0 : i32
      %dma_start3A_266 = tpu.memref_slice %arg2[%add3A_30, %mul3A_32, %dma_start3A_265] : memref<4x16384x3xf32, #tpu.memory_space<hbm>> -> memref<1x2048x3xf32, #tpu.memory_space<hbm>>
      %dma_start3A_267 = tpu.memref_squeeze %dma_start3A_266 : memref<1x2048x3xf32, #tpu.memory_space<hbm>> -> memref<2048x3xf32, #tpu.memory_space<hbm>>
      tpu.enqueue_dma source(%dma_start3A_267 : memref<2048x3xf32, #tpu.memory_space<hbm>>) target(%arg4 : memref<2048x3xf32, #tpu.memory_space<vmem>>) target_semaphore(%run_scoped3A_262 : memref<!tpu.dma_semaphore, #tpu.memory_space<semaphore_mem>>)
      %dma_wait3A = arith.constant 0 : i32
      %dma_wait3A_268 = tpu.memref_slice %arg2[%add3A_30, %mul3A_32, %dma_wait3A] : memref<4x16384x3xf32, #tpu.memory_space<hbm>> -> memref<1x2048x3xf32, #tpu.memory_space<hbm>>
      %dma_wait3A_269 = tpu.memref_squeeze %dma_wait3A_268 : memref<1x2048x3xf32, #tpu.memory_space<hbm>> -> memref<2048x3xf32, #tpu.memory_space<hbm>>
      %dma_wait3A_270 = arith.constant 0 : i32
      %dma_wait3A_271 = tpu.memref_slice %arg2[%add3A_30, %mul3A_32, %dma_wait3A_270] : memref<4x16384x3xf32, #tpu.memory_space<hbm>> -> memref<1x2048x3xf32, #tpu.memory_space<hbm>>
      %dma_wait3A_272 = tpu.memref_squeeze %dma_wait3A_271 : memref<1x2048x3xf32, #tpu.memory_space<hbm>> -> memref<2048x3xf32, #tpu.memory_space<hbm>>
      tpu.wait_dma2 semaphore(%run_scoped3A_262 : memref<!tpu.dma_semaphore, #tpu.memory_space<semaphore_mem>>) src(%dma_wait3A_272 : memref<2048x3xf32, #tpu.memory_space<hbm>>) dst(%arg4 : memref<2048x3xf32, #tpu.memory_space<vmem>>)
      tpu.yield
    }) : () -> ()
    %scan3A = arith.constant 0 : i32
    %scan3A_58 = arith.constant 0 : i32
    %scan3A_59 = arith.constant 128 : i32
    %scan3A_60 = arith.addi %scan3A_58, %scan3A_59 : i32
    %scan3A_61 = arith.constant 1 : i32
    %scan3A_62 = scf.for %scan3A_262 = %scan3A_58 to %scan3A_60 step %scan3A_61 iter_args(%scan3A_263 = %scan3A) -> (i32)  : i32 {
      %mul3A_264 = arith.constant 16 : i32
      %mul3A_265 = arith.muli %scan3A_262, %mul3A_264 : i32
      %add3A_266 = vector.broadcast %mul3A_265 : i32 to vector<16xi32>
      %add3A_267 = arith.addi %add3A_266, %iota3A : vector<16xi32>
      %mul3A_268 = arith.constant 16 : i32
      %mul3A_269 = arith.muli %scan3A_262, %mul3A_268 : i32
      %gather3A_270 = tpu.vector_load_idx %arg4[%add3A_267, %broadcast_in_dim3A_35] : memref<2048x3xf32, #tpu.memory_space<vmem>>[vector<16xi32>, vector<16xi32>], vector<16xf32>,
      %swap3A_271 = arith.index_cast %mul3A_269 : i32 to index
      %swap3A_272 = tpu.vector_load %arg5[%swap3A_271] {strides = array<i32>} : memref<2048xf32, #tpu.memory_space<vmem>>, vector<16xf32>,
      tpu.vector_store %arg5[%swap3A_271], %gather3A_270 {strides = array<i32>} : memref<2048xf32, #tpu.memory_space<vmem>>, vector<16xf32>,
      %gather3A_273 = tpu.vector_load_idx %arg4[%add3A_267, %broadcast_in_dim3A_37] : memref<2048x3xf32, #tpu.memory_space<vmem>>[vector<16xi32>, vector<16xi32>], vector<16xf32>,
      %swap3A_274 = arith.index_cast %mul3A_269 : i32 to index
      %swap3A_275 = tpu.vector_load %arg6[%swap3A_274] {strides = array<i32>} : memref<2048xf32, #tpu.memory_space<vmem>>, vector<16xf32>,
      tpu.vector_store %arg6[%swap3A_274], %gather3A_273 {strides = array<i32>} : memref<2048xf32, #tpu.memory_space<vmem>>, vector<16xf32>,
      %gather3A_276 = tpu.vector_load_idx %arg4[%add3A_267, %broadcast_in_dim3A_39] : memref<2048x3xf32, #tpu.memory_space<vmem>>[vector<16xi32>, vector<16xi32>], vector<16xf32>,
      %swap3A_277 = arith.index_cast %mul3A_269 : i32 to index
      %swap3A_278 = tpu.vector_load %arg7[%swap3A_277] {strides = array<i32>} : memref<2048xf32, #tpu.memory_space<vmem>>, vector<16xf32>,
      tpu.vector_store %arg7[%swap3A_277], %gather3A_276 {strides = array<i32>} : memref<2048xf32, #tpu.memory_space<vmem>>, vector<16xf32>,
      %broadcast_in_dim3A_279 = arith.constant 1.000000e+10 : f32
      %broadcast_in_dim3A_280 = vector.broadcast %broadcast_in_dim3A_279 : f32 to vector<16xf32>
      %swap3A_281 = arith.index_cast %mul3A_269 : i32 to index
      %swap3A_282 = tpu.vector_load %arg8[%swap3A_281] {strides = array<i32>} : memref<2048xf32, #tpu.memory_space<vmem>>, vector<16xf32>,
      tpu.vector_store %arg8[%swap3A_281], %broadcast_in_dim3A_280 {strides = array<i32>} : memref<2048xf32, #tpu.memory_space<vmem>>, vector<16xf32>,
      %scan3A_283 = arith.constant 0 : i32
      scf.yield %scan3A_283 : i32
    }
    %scan3A_63 = arith.constant 128 : i32
    %jit3A_64 = arith.constant 1.000000e+00 : f32
    %jit3A_65 = arith.constant 0.000000e+00 : f32
    %select_n3A_66 = arith.select %eq3A_34, %jit3A_64, %jit3A_65 : f32
    %jit3A_67 = arith.constant 0.000000e+00 : f32
    %jit3A_68 = arith.constant 3.000000e+38 : f32
    %select_n3A_69 = arith.select %eq3A_34, %jit3A_67, %jit3A_68 : f32
    %add3A_70 = arith.constant 0 : i32
    %add3A_71 = vector.broadcast %add3A_70 : i32 to vector<16xi32>
    %add3A_72 = arith.addi %broadcast_in_dim3A_35, %add3A_71 : vector<16xi32>
    %gather3A = tpu.vector_load_idx %arg4[%add3A_72, %min3A_46] : memref<2048x3xf32, #tpu.memory_space<vmem>>[vector<16xi32>, vector<16xi32>], vector<16xf32>,
    %eq3A_73 = arith.constant 0 : i32
    %eq3A_74 = vector.broadcast %eq3A_73 : i32 to vector<16xi32>
    %eq3A_75 = arith.cmpi eq, %iota3A, %eq3A_74 : vector<16xi32>
    %eq3A_76 = arith.constant 1 : i32
    %eq3A_77 = vector.broadcast %eq3A_76 : i32 to vector<16xi32>
    %eq3A_78 = arith.cmpi eq, %iota3A, %eq3A_77 : vector<16xi32>
    %broadcast_in_dim3A_79 = vector.broadcast %select_n3A_69 : f32 to vector<16xf32>
    %select_n3A_80 = arith.select %eq3A_78, %broadcast_in_dim3A_79, %gather3A : vector<16xi1>, vector<16xf32>
    %broadcast_in_dim3A_81 = vector.broadcast %select_n3A_66 : f32 to vector<16xf32>
    %select_n3A_82 = arith.select %eq3A_75, %broadcast_in_dim3A_81, %select_n3A_80 : vector<16xi1>, vector<16xf32>
    %swap3A = arith.constant 0 : index
    %swap3A_83 = tpu.vector_load %arg9[%swap3A] {strides = array<i32>} : memref<16xf32, #tpu.memory_space<vmem>>, vector<16xf32>,
    tpu.vector_store %arg9[%swap3A], %select_n3A_82 {strides = array<i32>} : memref<16xf32, #tpu.memory_space<vmem>>, vector<16xf32>,
    %run_scoped3A = arith.constant 0 : i32
    "tpu.region"() ({
      %run_scoped3A_262 = tpu.sem_alloc : memref<!tpu.dma_semaphore, #tpu.memory_space<semaphore_mem>>
      %dma_start3A = arith.constant 0 : i32
      %dma_start3A_263 = tpu.memref_slice %arg13[%run_scoped3A, %arg1, %dma_start3A] : memref<2x16x16xf32, #tpu.memory_space<vmem_shared>> -> memref<1x1x16xf32, #tpu.memory_space<vmem_shared>>
      %dma_start3A_264 = tpu.memref_squeeze %dma_start3A_263 : memref<1x1x16xf32, #tpu.memory_space<vmem_shared>> -> memref<16xf32, #tpu.memory_space<vmem_shared>>
      %dma_start3A_265 = arith.constant 0 : i32
      %dma_start3A_266 = tpu.memref_slice %arg13[%run_scoped3A, %arg1, %dma_start3A_265] : memref<2x16x16xf32, #tpu.memory_space<vmem_shared>> -> memref<1x1x16xf32, #tpu.memory_space<vmem_shared>>
      %dma_start3A_267 = tpu.memref_squeeze %dma_start3A_266 : memref<1x1x16xf32, #tpu.memory_space<vmem_shared>> -> memref<16xf32, #tpu.memory_space<vmem_shared>>
      tpu.enqueue_dma source(%arg9 : memref<16xf32, #tpu.memory_space<vmem>>) target(%dma_start3A_267 : memref<16xf32, #tpu.memory_space<vmem_shared>>) target_semaphore(%run_scoped3A_262 : memref<!tpu.dma_semaphore, #tpu.memory_space<semaphore_mem>>)
      %dma_wait3A = arith.constant 0 : i32
      %dma_wait3A_268 = tpu.memref_slice %arg13[%run_scoped3A, %arg1, %dma_wait3A] : memref<2x16x16xf32, #tpu.memory_space<vmem_shared>> -> memref<1x1x16xf32, #tpu.memory_space<vmem_shared>>
      %dma_wait3A_269 = tpu.memref_squeeze %dma_wait3A_268 : memref<1x1x16xf32, #tpu.memory_space<vmem_shared>> -> memref<16xf32, #tpu.memory_space<vmem_shared>>
      %dma_wait3A_270 = arith.constant 0 : i32
      %dma_wait3A_271 = tpu.memref_slice %arg13[%run_scoped3A, %arg1, %dma_wait3A_270] : memref<2x16x16xf32, #tpu.memory_space<vmem_shared>> -> memref<1x1x16xf32, #tpu.memory_space<vmem_shared>>
      %dma_wait3A_272 = tpu.memref_squeeze %dma_wait3A_271 : memref<1x1x16xf32, #tpu.memory_space<vmem_shared>> -> memref<16xf32, #tpu.memory_space<vmem_shared>>
      tpu.wait_dma2 semaphore(%run_scoped3A_262 : memref<!tpu.dma_semaphore, #tpu.memory_space<semaphore_mem>>) src(%arg9 : memref<16xf32, #tpu.memory_space<vmem>>) dst(%dma_wait3A_272 : memref<16xf32, #tpu.memory_space<vmem_shared>>)
      tpu.yield
    }) : () -> ()
    %barrier3A = arith.constant 0 : index
    tpu.barrier barrier_id(%barrier3A)
    %mul3A_84 = arith.constant 8 : i32
    %mul3A_85 = arith.muli %select_n3A, %mul3A_84 : i32
    %run_scoped3A_86 = arith.constant 0 : i32
    "tpu.region"() ({
      %run_scoped3A_262 = tpu.sem_alloc : memref<!tpu.dma_semaphore, #tpu.memory_space<semaphore_mem>>
      %dma_start3A = arith.constant 0 : i32
      %dma_start3A_263 = tpu.memref_slice %arg13[%run_scoped3A_86, %mul3A_85, %dma_start3A] : memref<2x16x16xf32, #tpu.memory_space<vmem_shared>> -> memref<1x8x16xf32, #tpu.memory_space<vmem_shared>>
      %dma_start3A_264 = tpu.memref_squeeze %dma_start3A_263 : memref<1x8x16xf32, #tpu.memory_space<vmem_shared>> -> memref<8x16xf32, #tpu.memory_space<vmem_shared>>
      %dma_start3A_265 = arith.constant 0 : i32
      %dma_start3A_266 = tpu.memref_slice %arg13[%run_scoped3A_86, %mul3A_85, %dma_start3A_265] : memref<2x16x16xf32, #tpu.memory_space<vmem_shared>> -> memref<1x8x16xf32, #tpu.memory_space<vmem_shared>>
      %dma_start3A_267 = tpu.memref_squeeze %dma_start3A_266 : memref<1x8x16xf32, #tpu.memory_space<vmem_shared>> -> memref<8x16xf32, #tpu.memory_space<vmem_shared>>
      tpu.enqueue_dma source(%dma_start3A_267 : memref<8x16xf32, #tpu.memory_space<vmem_shared>>) target(%arg10 : memref<8x16xf32, #tpu.memory_space<vmem>>) target_semaphore(%run_scoped3A_262 : memref<!tpu.dma_semaphore, #tpu.memory_space<semaphore_mem>>)
      %dma_wait3A = arith.constant 0 : i32
      %dma_wait3A_268 = tpu.memref_slice %arg13[%run_scoped3A_86, %mul3A_85, %dma_wait3A] : memref<2x16x16xf32, #tpu.memory_space<vmem_shared>> -> memref<1x8x16xf32, #tpu.memory_space<vmem_shared>>
      %dma_wait3A_269 = tpu.memref_squeeze %dma_wait3A_268 : memref<1x8x16xf32, #tpu.memory_space<vmem_shared>> -> memref<8x16xf32, #tpu.memory_space<vmem_shared>>
      %dma_wait3A_270 = arith.constant 0 : i32
      %dma_wait3A_271 = tpu.memref_slice %arg13[%run_scoped3A_86, %mul3A_85, %dma_wait3A_270] : memref<2x16x16xf32, #tpu.memory_space<vmem_shared>> -> memref<1x8x16xf32, #tpu.memory_space<vmem_shared>>
      %dma_wait3A_272 = tpu.memref_squeeze %dma_wait3A_271 : memref<1x8x16xf32, #tpu.memory_space<vmem_shared>> -> memref<8x16xf32, #tpu.memory_space<vmem_shared>>
      tpu.wait_dma2 semaphore(%run_scoped3A_262 : memref<!tpu.dma_semaphore, #tpu.memory_space<semaphore_mem>>) src(%dma_wait3A_272 : memref<8x16xf32, #tpu.memory_space<vmem_shared>>) dst(%arg10 : memref<8x16xf32, #tpu.memory_space<vmem>>)
      tpu.yield
    }) : () -> ()
    %and3A_87 = arith.constant 7 : i32
    %and3A_88 = vector.broadcast %and3A_87 : i32 to vector<16xi32>
    %and3A_89 = arith.andi %iota3A, %and3A_88 : vector<16xi32>
    %gather3A_90 = tpu.vector_load_idx %arg10[%and3A_89, %broadcast_in_dim3A_35] : memref<8x16xf32, #tpu.memory_space<vmem>>[vector<16xi32>, vector<16xi32>], vector<16xf32>,
    %gather3A_91 = tpu.vector_load_idx %arg10[%and3A_89, %broadcast_in_dim3A_37] : memref<8x16xf32, #tpu.memory_space<vmem>>[vector<16xi32>, vector<16xi32>], vector<16xf32>,
    %lt3A_92 = arith.constant 0 : i32
    %lt3A_93 = vector.broadcast %lt3A_92 : i32 to vector<16xi32>
    %lt3A_94 = arith.cmpi slt, %xor3A_48, %lt3A_93 : vector<16xi32>
    %add3A_95 = arith.constant 16 : i32
    %add3A_96 = vector.broadcast %add3A_95 : i32 to vector<16xi32>
    %add3A_97 = arith.addi %xor3A_48, %add3A_96 : vector<16xi32>
    %select_n3A_98 = arith.select %lt3A_94, %add3A_97, %xor3A_48 : vector<16xi1>, vector<16xi32>
    %reshape3A = vector.shape_cast %select_n3A_98 : vector<16xi32> to vector<16x1xi32>
    %gather3A_99 = vector.shape_cast %reshape3A : vector<16x1xi32> to vector<16xi32>
    %gather3A_100 = tpu.dynamic_gather %gather3A_90[%gather3A_99] in [0] : vector<16xf32>, vector<16xi32> -> vector<16xf32>
    %lt3A_101 = arith.constant 0 : i32
    %lt3A_102 = vector.broadcast %lt3A_101 : i32 to vector<16xi32>
    %lt3A_103 = arith.cmpi slt, %xor3A_48, %lt3A_102 : vector<16xi32>
    %add3A_104 = arith.constant 16 : i32
    %add3A_105 = vector.broadcast %add3A_104 : i32 to vector<16xi32>
    %add3A_106 = arith.addi %xor3A_48, %add3A_105 : vector<16xi32>
    %select_n3A_107 = arith.select %lt3A_103, %add3A_106, %xor3A_48 : vector<16xi1>, vector<16xi32>
    %reshape3A_108 = vector.shape_cast %select_n3A_107 : vector<16xi32> to vector<16x1xi32>
    %gather3A_109 = vector.shape_cast %reshape3A_108 : vector<16x1xi32> to vector<16xi32>
    %gather3A_110 = tpu.dynamic_gather %gather3A_91[%gather3A_109] in [0] : vector<16xf32>, vector<16xi32> -> vector<16xf32>
    %gt3A = arith.cmpf ogt, %gather3A_100, %gather3A_90 : vector<16xf32>
    %eq3A_111 = arith.cmpf oeq, %gather3A_100, %gather3A_90 : vector<16xf32>
    %lt3A_112 = arith.cmpf olt, %gather3A_110, %gather3A_91 : vector<16xf32>
    %and3A_113 = arith.andi %eq3A_111, %lt3A_112 : vector<16xi1>
    %or3A = arith.ori %gt3A, %and3A_113 : vector<16xi1>
    %select_n3A_114 = arith.select %or3A, %gather3A_100, %gather3A_90 : vector<16xi1>, vector<16xf32>
    %select_n3A_115 = arith.select %or3A, %gather3A_110, %gather3A_91 : vector<16xi1>, vector<16xf32>
    %lt3A_116 = arith.constant 0 : i32
    %lt3A_117 = vector.broadcast %lt3A_116 : i32 to vector<16xi32>
    %lt3A_118 = arith.cmpi slt, %xor3A_48, %lt3A_117 : vector<16xi32>
    %add3A_119 = arith.constant 16 : i32
    %add3A_120 = vector.broadcast %add3A_119 : i32 to vector<16xi32>
    %add3A_121 = arith.addi %xor3A_48, %add3A_120 : vector<16xi32>
    %select_n3A_122 = arith.select %lt3A_118, %add3A_121, %xor3A_48 : vector<16xi1>, vector<16xi32>
    %reshape3A_123 = vector.shape_cast %select_n3A_122 : vector<16xi32> to vector<16x1xi32>
    %gather3A_124 = vector.shape_cast %reshape3A_123 : vector<16x1xi32> to vector<16xi32>
    %gather3A_125 = tpu.dynamic_gather %and3A_89[%gather3A_124] in [0] : vector<16xi32>, vector<16xi32> -> vector<16xi32>
    %select_n3A_126 = arith.select %or3A, %gather3A_125, %and3A_89 : vector<16xi1>, vector<16xi32>
    %lt3A_127 = arith.constant 0 : i32
    %lt3A_128 = vector.broadcast %lt3A_127 : i32 to vector<16xi32>
    %lt3A_129 = arith.cmpi slt, %xor3A_51, %lt3A_128 : vector<16xi32>
    %add3A_130 = arith.constant 16 : i32
    %add3A_131 = vector.broadcast %add3A_130 : i32 to vector<16xi32>
    %add3A_132 = arith.addi %xor3A_51, %add3A_131 : vector<16xi32>
    %select_n3A_133 = arith.select %lt3A_129, %add3A_132, %xor3A_51 : vector<16xi1>, vector<16xi32>
    %reshape3A_134 = vector.shape_cast %select_n3A_133 : vector<16xi32> to vector<16x1xi32>
    %gather3A_135 = vector.shape_cast %reshape3A_134 : vector<16x1xi32> to vector<16xi32>
    %gather3A_136 = tpu.dynamic_gather %select_n3A_114[%gather3A_135] in [0] : vector<16xf32>, vector<16xi32> -> vector<16xf32>
    %lt3A_137 = arith.constant 0 : i32
    %lt3A_138 = vector.broadcast %lt3A_137 : i32 to vector<16xi32>
    %lt3A_139 = arith.cmpi slt, %xor3A_51, %lt3A_138 : vector<16xi32>
    %add3A_140 = arith.constant 16 : i32
    %add3A_141 = vector.broadcast %add3A_140 : i32 to vector<16xi32>
    %add3A_142 = arith.addi %xor3A_51, %add3A_141 : vector<16xi32>
    %select_n3A_143 = arith.select %lt3A_139, %add3A_142, %xor3A_51 : vector<16xi1>, vector<16xi32>
    %reshape3A_144 = vector.shape_cast %select_n3A_143 : vector<16xi32> to vector<16x1xi32>
    %gather3A_145 = vector.shape_cast %reshape3A_144 : vector<16x1xi32> to vector<16xi32>
    %gather3A_146 = tpu.dynamic_gather %select_n3A_115[%gather3A_145] in [0] : vector<16xf32>, vector<16xi32> -> vector<16xf32>
    %gt3A_147 = arith.cmpf ogt, %gather3A_136, %select_n3A_114 : vector<16xf32>
    %eq3A_148 = arith.cmpf oeq, %gather3A_136, %select_n3A_114 : vector<16xf32>
    %lt3A_149 = arith.cmpf olt, %gather3A_146, %select_n3A_115 : vector<16xf32>
    %and3A_150 = arith.andi %eq3A_148, %lt3A_149 : vector<16xi1>
    %or3A_151 = arith.ori %gt3A_147, %and3A_150 : vector<16xi1>
    %select_n3A_152 = arith.select %or3A_151, %gather3A_136, %select_n3A_114 : vector<16xi1>, vector<16xf32>
    %select_n3A_153 = arith.select %or3A_151, %gather3A_146, %select_n3A_115 : vector<16xi1>, vector<16xf32>
    %lt3A_154 = arith.constant 0 : i32
    %lt3A_155 = vector.broadcast %lt3A_154 : i32 to vector<16xi32>
    %lt3A_156 = arith.cmpi slt, %xor3A_51, %lt3A_155 : vector<16xi32>
    %add3A_157 = arith.constant 16 : i32
    %add3A_158 = vector.broadcast %add3A_157 : i32 to vector<16xi32>
    %add3A_159 = arith.addi %xor3A_51, %add3A_158 : vector<16xi32>
    %select_n3A_160 = arith.select %lt3A_156, %add3A_159, %xor3A_51 : vector<16xi1>, vector<16xi32>
    %reshape3A_161 = vector.shape_cast %select_n3A_160 : vector<16xi32> to vector<16x1xi32>
    %gather3A_162 = vector.shape_cast %reshape3A_161 : vector<16x1xi32> to vector<16xi32>
    %gather3A_163 = tpu.dynamic_gather %select_n3A_126[%gather3A_162] in [0] : vector<16xi32>, vector<16xi32> -> vector<16xi32>
    %select_n3A_164 = arith.select %or3A_151, %gather3A_163, %select_n3A_126 : vector<16xi1>, vector<16xi32>
    %lt3A_165 = arith.constant 0 : i32
    %lt3A_166 = vector.broadcast %lt3A_165 : i32 to vector<16xi32>
    %lt3A_167 = arith.cmpi slt, %xor3A_54, %lt3A_166 : vector<16xi32>
    %add3A_168 = arith.constant 16 : i32
    %add3A_169 = vector.broadcast %add3A_168 : i32 to vector<16xi32>
    %add3A_170 = arith.addi %xor3A_54, %add3A_169 : vector<16xi32>
    %select_n3A_171 = arith.select %lt3A_167, %add3A_170, %xor3A_54 : vector<16xi1>, vector<16xi32>
    %reshape3A_172 = vector.shape_cast %select_n3A_171 : vector<16xi32> to vector<16x1xi32>
    %gather3A_173 = vector.shape_cast %reshape3A_172 : vector<16x1xi32> to vector<16xi32>
    %gather3A_174 = tpu.dynamic_gather %select_n3A_152[%gather3A_173] in [0] : vector<16xf32>, vector<16xi32> -> vector<16xf32>
    %lt3A_175 = arith.constant 0 : i32
    %lt3A_176 = vector.broadcast %lt3A_175 : i32 to vector<16xi32>
    %lt3A_177 = arith.cmpi slt, %xor3A_54, %lt3A_176 : vector<16xi32>
    %add3A_178 = arith.constant 16 : i32
    %add3A_179 = vector.broadcast %add3A_178 : i32 to vector<16xi32>
    %add3A_180 = arith.addi %xor3A_54, %add3A_179 : vector<16xi32>
    %select_n3A_181 = arith.select %lt3A_177, %add3A_180, %xor3A_54 : vector<16xi1>, vector<16xi32>
    %reshape3A_182 = vector.shape_cast %select_n3A_181 : vector<16xi32> to vector<16x1xi32>
    %gather3A_183 = vector.shape_cast %reshape3A_182 : vector<16x1xi32> to vector<16xi32>
    %gather3A_184 = tpu.dynamic_gather %select_n3A_153[%gather3A_183] in [0] : vector<16xf32>, vector<16xi32> -> vector<16xf32>
    %gt3A_185 = arith.cmpf ogt, %gather3A_174, %select_n3A_152 : vector<16xf32>
    %eq3A_186 = arith.cmpf oeq, %gather3A_174, %select_n3A_152 : vector<16xf32>
    %lt3A_187 = arith.cmpf olt, %gather3A_184, %select_n3A_153 : vector<16xf32>
    %and3A_188 = arith.andi %eq3A_186, %lt3A_187 : vector<16xi1>
    %or3A_189 = arith.ori %gt3A_185, %and3A_188 : vector<16xi1>
    %select_n3A_190 = arith.select %or3A_189, %gather3A_174, %select_n3A_152 : vector<16xi1>, vector<16xf32>
    %select_n3A_191 = arith.select %or3A_189, %gather3A_184, %select_n3A_153 : vector<16xi1>, vector<16xf32>
    %lt3A_192 = arith.constant 0 : i32
    %lt3A_193 = vector.broadcast %lt3A_192 : i32 to vector<16xi32>
    %lt3A_194 = arith.cmpi slt, %xor3A_54, %lt3A_193 : vector<16xi32>
    %add3A_195 = arith.constant 16 : i32
    %add3A_196 = vector.broadcast %add3A_195 : i32 to vector<16xi32>
    %add3A_197 = arith.addi %xor3A_54, %add3A_196 : vector<16xi32>
    %select_n3A_198 = arith.select %lt3A_194, %add3A_197, %xor3A_54 : vector<16xi1>, vector<16xi32>
    %reshape3A_199 = vector.shape_cast %select_n3A_198 : vector<16xi32> to vector<16x1xi32>
    %gather3A_200 = vector.shape_cast %reshape3A_199 : vector<16x1xi32> to vector<16xi32>
    %gather3A_201 = tpu.dynamic_gather %select_n3A_164[%gather3A_200] in [0] : vector<16xi32>, vector<16xi32> -> vector<16xi32>
    %select_n3A_202 = arith.select %or3A_189, %gather3A_201, %select_n3A_164 : vector<16xi1>, vector<16xi32>
    %lt3A_203 = arith.constant 0 : i32
    %lt3A_204 = vector.broadcast %lt3A_203 : i32 to vector<16xi32>
    %lt3A_205 = arith.cmpi slt, %xor3A_57, %lt3A_204 : vector<16xi32>
    %add3A_206 = arith.constant 16 : i32
    %add3A_207 = vector.broadcast %add3A_206 : i32 to vector<16xi32>
    %add3A_208 = arith.addi %xor3A_57, %add3A_207 : vector<16xi32>
    %select_n3A_209 = arith.select %lt3A_205, %add3A_208, %xor3A_57 : vector<16xi1>, vector<16xi32>
    %reshape3A_210 = vector.shape_cast %select_n3A_209 : vector<16xi32> to vector<16x1xi32>
    %gather3A_211 = vector.shape_cast %reshape3A_210 : vector<16x1xi32> to vector<16xi32>
    %gather3A_212 = tpu.dynamic_gather %select_n3A_190[%gather3A_211] in [0] : vector<16xf32>, vector<16xi32> -> vector<16xf32>
    %lt3A_213 = arith.constant 0 : i32
    %lt3A_214 = vector.broadcast %lt3A_213 : i32 to vector<16xi32>
    %lt3A_215 = arith.cmpi slt, %xor3A_57, %lt3A_214 : vector<16xi32>
    %add3A_216 = arith.constant 16 : i32
    %add3A_217 = vector.broadcast %add3A_216 : i32 to vector<16xi32>
    %add3A_218 = arith.addi %xor3A_57, %add3A_217 : vector<16xi32>
    %select_n3A_219 = arith.select %lt3A_215, %add3A_218, %xor3A_57 : vector<16xi1>, vector<16xi32>
    %reshape3A_220 = vector.shape_cast %select_n3A_219 : vector<16xi32> to vector<16x1xi32>
    %gather3A_221 = vector.shape_cast %reshape3A_220 : vector<16x1xi32> to vector<16xi32>
    %gather3A_222 = tpu.dynamic_gather %select_n3A_191[%gather3A_221] in [0] : vector<16xf32>, vector<16xi32> -> vector<16xf32>
    %gt3A_223 = arith.cmpf ogt, %gather3A_212, %select_n3A_190 : vector<16xf32>
    %eq3A_224 = arith.cmpf oeq, %gather3A_212, %select_n3A_190 : vector<16xf32>
    %lt3A_225 = arith.cmpf olt, %gather3A_222, %select_n3A_191 : vector<16xf32>
    %and3A_226 = arith.andi %eq3A_224, %lt3A_225 : vector<16xi1>
    %or3A_227 = arith.ori %gt3A_223, %and3A_226 : vector<16xi1>
    %select_n3A_228 = arith.select %or3A_227, %gather3A_212, %select_n3A_190 : vector<16xi1>, vector<16xf32>
    %select_n3A_229 = arith.select %or3A_227, %gather3A_222, %select_n3A_191 : vector<16xi1>, vector<16xf32>
    %lt3A_230 = arith.constant 0 : i32
    %lt3A_231 = vector.broadcast %lt3A_230 : i32 to vector<16xi32>
    %lt3A_232 = arith.cmpi slt, %xor3A_57, %lt3A_231 : vector<16xi32>
    %add3A_233 = arith.constant 16 : i32
    %add3A_234 = vector.broadcast %add3A_233 : i32 to vector<16xi32>
    %add3A_235 = arith.addi %xor3A_57, %add3A_234 : vector<16xi32>
    %select_n3A_236 = arith.select %lt3A_232, %add3A_235, %xor3A_57 : vector<16xi1>, vector<16xi32>
    %reshape3A_237 = vector.shape_cast %select_n3A_236 : vector<16xi32> to vector<16x1xi32>
    %gather3A_238 = vector.shape_cast %reshape3A_237 : vector<16x1xi32> to vector<16xi32>
    %gather3A_239 = tpu.dynamic_gather %select_n3A_202[%gather3A_238] in [0] : vector<16xi32>, vector<16xi32> -> vector<16xi32>
    %select_n3A_240 = arith.select %or3A_227, %gather3A_239, %select_n3A_202 : vector<16xi1>, vector<16xi32>
    %gather3A_241 = tpu.vector_load_idx %arg10[%select_n3A_240, %iota3A] : memref<8x16xf32, #tpu.memory_space<vmem>>[vector<16xi32>, vector<16xi32>], vector<16xf32>,
    %swap3A_242 = arith.constant 0 : index
    %swap3A_243 = tpu.vector_load %arg11[%swap3A_242] {strides = array<i32>} : memref<32768xf32, #tpu.memory_space<vmem>>, vector<16xf32>,
    tpu.vector_store %arg11[%swap3A_242], %gather3A_241 {strides = array<i32>} : memref<32768xf32, #tpu.memory_space<vmem>>, vector<16xf32>,
    %slice3A = vector.extract_strided_slice %gather3A_241 {offsets = [2], sizes = [1], strides = [1]} : vector<16xf32> to vector<1xf32>
    %squeeze3A = vector.extract %slice3A[0] : f32 from vector<1xf32>
    %slice3A_244 = vector.extract_strided_slice %gather3A_241 {offsets = [3], sizes = [1], strides = [1]} : vector<16xf32> to vector<1xf32>
    %squeeze3A_245 = vector.extract %slice3A_244[0] : f32 from vector<1xf32>
    %slice3A_246 = vector.extract_strided_slice %gather3A_241 {offsets = [4], sizes = [1], strides = [1]} : vector<16xf32> to vector<1xf32>
    %squeeze3A_247 = vector.extract %slice3A_246[0] : f32 from vector<1xf32>
    %scan3A_248 = arith.constant 1 : i32
    %scan3A_249 = arith.constant 2047 : i32
    %scan3A_250 = arith.addi %scan3A_248, %scan3A_249 : i32
    %scan3A_251 = arith.constant 1 : i32
    %scan3A_252:3 = scf.for %scan3A_262 = %scan3A_248 to %scan3A_250 step %scan3A_251 iter_args(%scan3A_263 = %squeeze3A, %scan3A_264 = %squeeze3A_245, %scan3A_265 = %squeeze3A_247) -> (f32, f32, f32)  : i32 {
      %broadcast_in_dim3A_266 = arith.constant -1.000000e+00 : f32
      %broadcast_in_dim3A_267 = vector.broadcast %broadcast_in_dim3A_266 : f32 to vector<16xf32>
      %parallel_loop3A = arith.constant 0 : i32
      %parallel_loop3A_268 = arith.constant 128 : i32
      %parallel_loop3A_269 = arith.constant 1 : i32
      %parallel_loop3A_270:2 = scf.for %parallel_loop3A_573 = %parallel_loop3A to %parallel_loop3A_268 step %parallel_loop3A_269 iter_args(%parallel_loop3A_574 = %broadcast_in_dim3A_267, %parallel_loop3A_575 = %broadcast_in_dim3A_35) -> (vector<16xf32>, vector<16xi32>)  : i32 {
        %parallel_loop3A_576 = arith.constant 16 : i32
        %parallel_loop3A_577 = arith.muli %parallel_loop3A_573, %parallel_loop3A_576 : i32
        %parallel_loop3A_578 = arith.index_cast %parallel_loop3A_577 : i32 to index
        %parallel_loop3A_579 = tpu.vector_load %arg5[%parallel_loop3A_578] {strides = array<i32>} : memref<2048xf32, #tpu.memory_space<vmem>>, vector<16xf32>,
        %parallel_loop3A_580 = vector.broadcast %scan3A_263 : f32 to vector<16xf32>
        %parallel_loop3A_581 = arith.subf %parallel_loop3A_579, %parallel_loop3A_580 : vector<16xf32>
        %parallel_loop3A_582 = arith.index_cast %parallel_loop3A_577 : i32 to index
        %parallel_loop3A_583 = tpu.vector_load %arg6[%parallel_loop3A_582] {strides = array<i32>} : memref<2048xf32, #tpu.memory_space<vmem>>, vector<16xf32>,
        %parallel_loop3A_584 = vector.broadcast %scan3A_264 : f32 to vector<16xf32>
        %parallel_loop3A_585 = arith.subf %parallel_loop3A_583, %parallel_loop3A_584 : vector<16xf32>
        %parallel_loop3A_586 = arith.index_cast %parallel_loop3A_577 : i32 to index
        %parallel_loop3A_587 = tpu.vector_load %arg7[%parallel_loop3A_586] {strides = array<i32>} : memref<2048xf32, #tpu.memory_space<vmem>>, vector<16xf32>,
        %parallel_loop3A_588 = vector.broadcast %scan3A_265 : f32 to vector<16xf32>
        %parallel_loop3A_589 = arith.subf %parallel_loop3A_587, %parallel_loop3A_588 : vector<16xf32>
        %parallel_loop3A_590 = arith.mulf %parallel_loop3A_581, %parallel_loop3A_581 : vector<16xf32>
        %parallel_loop3A_591 = arith.mulf %parallel_loop3A_585, %parallel_loop3A_585 : vector<16xf32>
        %parallel_loop3A_592 = arith.addf %parallel_loop3A_590, %parallel_loop3A_591 : vector<16xf32>
        %parallel_loop3A_593 = arith.mulf %parallel_loop3A_589, %parallel_loop3A_589 : vector<16xf32>
        %parallel_loop3A_594 = arith.addf %parallel_loop3A_592, %parallel_loop3A_593 : vector<16xf32>
        %parallel_loop3A_595 = arith.index_cast %parallel_loop3A_577 : i32 to index
        %parallel_loop3A_596 = tpu.vector_load %arg8[%parallel_loop3A_595] {strides = array<i32>} : memref<2048xf32, #tpu.memory_space<vmem>>, vector<16xf32>,
        %parallel_loop3A_597 = arith.minimumf %parallel_loop3A_596, %parallel_loop3A_594 : vector<16xf32>
        %parallel_loop3A_598 = arith.index_cast %parallel_loop3A_577 : i32 to index
        %parallel_loop3A_599 = tpu.vector_load %arg8[%parallel_loop3A_598] {strides = array<i32>} : memref<2048xf32, #tpu.memory_space<vmem>>, vector<16xf32>,
        tpu.vector_store %arg8[%parallel_loop3A_598], %parallel_loop3A_597 {strides = array<i32>} : memref<2048xf32, #tpu.memory_space<vmem>>, vector<16xf32>,
        %parallel_loop3A_600 = arith.constant 16 : i32
        %parallel_loop3A_601 = arith.muli %parallel_loop3A_573, %parallel_loop3A_600 : i32
        %parallel_loop3A_602 = vector.broadcast %parallel_loop3A_601 : i32 to vector<16xi32>
        %parallel_loop3A_603 = arith.addi %parallel_loop3A_602, %iota3A : vector<16xi32>
        %parallel_loop3A_604 = arith.cmpf ogt, %parallel_loop3A_597, %parallel_loop3A_574 : vector<16xf32>
        %parallel_loop3A_605 = arith.cmpf oeq, %parallel_loop3A_597, %parallel_loop3A_574 : vector<16xf32>
        %parallel_loop3A_606 = arith.cmpi slt, %parallel_loop3A_603, %parallel_loop3A_575 : vector<16xi32>
        %parallel_loop3A_607 = arith.andi %parallel_loop3A_605, %parallel_loop3A_606 : vector<16xi1>
        %parallel_loop3A_608 = arith.ori %parallel_loop3A_604, %parallel_loop3A_607 : vector<16xi1>
        %parallel_loop3A_609 = arith.select %parallel_loop3A_608, %parallel_loop3A_597, %parallel_loop3A_574 : vector<16xi1>, vector<16xf32>
        %parallel_loop3A_610 = arith.select %parallel_loop3A_608, %parallel_loop3A_603, %parallel_loop3A_575 : vector<16xi1>, vector<16xi32>
        scf.yield %parallel_loop3A_609, %parallel_loop3A_610 : vector<16xf32>, vector<16xi32>
      } {sc.loop_unroll_factor = 4 : i64, sc.parallel_access}
      %lt3A_271 = arith.constant 0 : i32
      %lt3A_272 = vector.broadcast %lt3A_271 : i32 to vector<16xi32>
      %lt3A_273 = arith.cmpi slt, %xor3A_48, %lt3A_272 : vector<16xi32>
      %add3A_274 = arith.constant 16 : i32
      %add3A_275 = vector.broadcast %add3A_274 : i32 to vector<16xi32>
      %add3A_276 = arith.addi %xor3A_48, %add3A_275 : vector<16xi32>
      %select_n3A_277 = arith.select %lt3A_273, %add3A_276, %xor3A_48 : vector<16xi1>, vector<16xi32>
      %reshape3A_278 = vector.shape_cast %select_n3A_277 : vector<16xi32> to vector<16x1xi32>
      %gather3A_279 = vector.shape_cast %reshape3A_278 : vector<16x1xi32> to vector<16xi32>
      %gather3A_280 = tpu.dynamic_gather %parallel_loop3A_270#0[%gather3A_279] in [0] : vector<16xf32>, vector<16xi32> -> vector<16xf32>
      %lt3A_281 = arith.constant 0 : i32
      %lt3A_282 = vector.broadcast %lt3A_281 : i32 to vector<16xi32>
      %lt3A_283 = arith.cmpi slt, %xor3A_48, %lt3A_282 : vector<16xi32>
      %add3A_284 = arith.constant 16 : i32
      %add3A_285 = vector.broadcast %add3A_284 : i32 to vector<16xi32>
      %add3A_286 = arith.addi %xor3A_48, %add3A_285 : vector<16xi32>
      %select_n3A_287 = arith.select %lt3A_283, %add3A_286, %xor3A_48 : vector<16xi1>, vector<16xi32>
      %reshape3A_288 = vector.shape_cast %select_n3A_287 : vector<16xi32> to vector<16x1xi32>
      %gather3A_289 = vector.shape_cast %reshape3A_288 : vector<16x1xi32> to vector<16xi32>
      %gather3A_290 = tpu.dynamic_gather %parallel_loop3A_270#1[%gather3A_289] in [0] : vector<16xi32>, vector<16xi32> -> vector<16xi32>
      %gt3A_291 = arith.cmpf ogt, %gather3A_280, %parallel_loop3A_270#0 : vector<16xf32>
      %eq3A_292 = arith.cmpf oeq, %gather3A_280, %parallel_loop3A_270#0 : vector<16xf32>
      %lt3A_293 = arith.cmpi slt, %gather3A_290, %parallel_loop3A_270#1 : vector<16xi32>
      %and3A_294 = arith.andi %eq3A_292, %lt3A_293 : vector<16xi1>
      %or3A_295 = arith.ori %gt3A_291, %and3A_294 : vector<16xi1>
      %select_n3A_296 = arith.select %or3A_295, %gather3A_280, %parallel_loop3A_270#0 : vector<16xi1>, vector<16xf32>
      %select_n3A_297 = arith.select %or3A_295, %gather3A_290, %parallel_loop3A_270#1 : vector<16xi1>, vector<16xi32>
      %lt3A_298 = arith.constant 0 : i32
      %lt3A_299 = vector.broadcast %lt3A_298 : i32 to vector<16xi32>
      %lt3A_300 = arith.cmpi slt, %xor3A_51, %lt3A_299 : vector<16xi32>
      %add3A_301 = arith.constant 16 : i32
      %add3A_302 = vector.broadcast %add3A_301 : i32 to vector<16xi32>
      %add3A_303 = arith.addi %xor3A_51, %add3A_302 : vector<16xi32>
      %select_n3A_304 = arith.select %lt3A_300, %add3A_303, %xor3A_51 : vector<16xi1>, vector<16xi32>
      %reshape3A_305 = vector.shape_cast %select_n3A_304 : vector<16xi32> to vector<16x1xi32>
      %gather3A_306 = vector.shape_cast %reshape3A_305 : vector<16x1xi32> to vector<16xi32>
      %gather3A_307 = tpu.dynamic_gather %select_n3A_296[%gather3A_306] in [0] : vector<16xf32>, vector<16xi32> -> vector<16xf32>
      %lt3A_308 = arith.constant 0 : i32
      %lt3A_309 = vector.broadcast %lt3A_308 : i32 to vector<16xi32>
      %lt3A_310 = arith.cmpi slt, %xor3A_51, %lt3A_309 : vector<16xi32>
      %add3A_311 = arith.constant 16 : i32
      %add3A_312 = vector.broadcast %add3A_311 : i32 to vector<16xi32>
      %add3A_313 = arith.addi %xor3A_51, %add3A_312 : vector<16xi32>
      %select_n3A_314 = arith.select %lt3A_310, %add3A_313, %xor3A_51 : vector<16xi1>, vector<16xi32>
      %reshape3A_315 = vector.shape_cast %select_n3A_314 : vector<16xi32> to vector<16x1xi32>
      %gather3A_316 = vector.shape_cast %reshape3A_315 : vector<16x1xi32> to vector<16xi32>
      %gather3A_317 = tpu.dynamic_gather %select_n3A_297[%gather3A_316] in [0] : vector<16xi32>, vector<16xi32> -> vector<16xi32>
      %gt3A_318 = arith.cmpf ogt, %gather3A_307, %select_n3A_296 : vector<16xf32>
      %eq3A_319 = arith.cmpf oeq, %gather3A_307, %select_n3A_296 : vector<16xf32>
      %lt3A_320 = arith.cmpi slt, %gather3A_317, %select_n3A_297 : vector<16xi32>
      %and3A_321 = arith.andi %eq3A_319, %lt3A_320 : vector<16xi1>
      %or3A_322 = arith.ori %gt3A_318, %and3A_321 : vector<16xi1>
      %select_n3A_323 = arith.select %or3A_322, %gather3A_307, %select_n3A_296 : vector<16xi1>, vector<16xf32>
      %select_n3A_324 = arith.select %or3A_322, %gather3A_317, %select_n3A_297 : vector<16xi1>, vector<16xi32>
      %lt3A_325 = arith.constant 0 : i32
      %lt3A_326 = vector.broadcast %lt3A_325 : i32 to vector<16xi32>
      %lt3A_327 = arith.cmpi slt, %xor3A_54, %lt3A_326 : vector<16xi32>
      %add3A_328 = arith.constant 16 : i32
      %add3A_329 = vector.broadcast %add3A_328 : i32 to vector<16xi32>
      %add3A_330 = arith.addi %xor3A_54, %add3A_329 : vector<16xi32>
      %select_n3A_331 = arith.select %lt3A_327, %add3A_330, %xor3A_54 : vector<16xi1>, vector<16xi32>
      %reshape3A_332 = vector.shape_cast %select_n3A_331 : vector<16xi32> to vector<16x1xi32>
      %gather3A_333 = vector.shape_cast %reshape3A_332 : vector<16x1xi32> to vector<16xi32>
      %gather3A_334 = tpu.dynamic_gather %select_n3A_323[%gather3A_333] in [0] : vector<16xf32>, vector<16xi32> -> vector<16xf32>
      %lt3A_335 = arith.constant 0 : i32
      %lt3A_336 = vector.broadcast %lt3A_335 : i32 to vector<16xi32>
      %lt3A_337 = arith.cmpi slt, %xor3A_54, %lt3A_336 : vector<16xi32>
      %add3A_338 = arith.constant 16 : i32
      %add3A_339 = vector.broadcast %add3A_338 : i32 to vector<16xi32>
      %add3A_340 = arith.addi %xor3A_54, %add3A_339 : vector<16xi32>
      %select_n3A_341 = arith.select %lt3A_337, %add3A_340, %xor3A_54 : vector<16xi1>, vector<16xi32>
      %reshape3A_342 = vector.shape_cast %select_n3A_341 : vector<16xi32> to vector<16x1xi32>
      %gather3A_343 = vector.shape_cast %reshape3A_342 : vector<16x1xi32> to vector<16xi32>
      %gather3A_344 = tpu.dynamic_gather %select_n3A_324[%gather3A_343] in [0] : vector<16xi32>, vector<16xi32> -> vector<16xi32>
      %gt3A_345 = arith.cmpf ogt, %gather3A_334, %select_n3A_323 : vector<16xf32>
      %eq3A_346 = arith.cmpf oeq, %gather3A_334, %select_n3A_323 : vector<16xf32>
      %lt3A_347 = arith.cmpi slt, %gather3A_344, %select_n3A_324 : vector<16xi32>
      %and3A_348 = arith.andi %eq3A_346, %lt3A_347 : vector<16xi1>
      %or3A_349 = arith.ori %gt3A_345, %and3A_348 : vector<16xi1>
      %select_n3A_350 = arith.select %or3A_349, %gather3A_334, %select_n3A_323 : vector<16xi1>, vector<16xf32>
      %select_n3A_351 = arith.select %or3A_349, %gather3A_344, %select_n3A_324 : vector<16xi1>, vector<16xi32>
      %lt3A_352 = arith.constant 0 : i32
      %lt3A_353 = vector.broadcast %lt3A_352 : i32 to vector<16xi32>
      %lt3A_354 = arith.cmpi slt, %xor3A_57, %lt3A_353 : vector<16xi32>
      %add3A_355 = arith.constant 16 : i32
      %add3A_356 = vector.broadcast %add3A_355 : i32 to vector<16xi32>
      %add3A_357 = arith.addi %xor3A_57, %add3A_356 : vector<16xi32>
      %select_n3A_358 = arith.select %lt3A_354, %add3A_357, %xor3A_57 : vector<16xi1>, vector<16xi32>
      %reshape3A_359 = vector.shape_cast %select_n3A_358 : vector<16xi32> to vector<16x1xi32>
      %gather3A_360 = vector.shape_cast %reshape3A_359 : vector<16x1xi32> to vector<16xi32>
      %gather3A_361 = tpu.dynamic_gather %select_n3A_350[%gather3A_360] in [0] : vector<16xf32>, vector<16xi32> -> vector<16xf32>
      %lt3A_362 = arith.constant 0 : i32
      %lt3A_363 = vector.broadcast %lt3A_362 : i32 to vector<16xi32>
      %lt3A_364 = arith.cmpi slt, %xor3A_57, %lt3A_363 : vector<16xi32>
      %add3A_365 = arith.constant 16 : i32
      %add3A_366 = vector.broadcast %add3A_365 : i32 to vector<16xi32>
      %add3A_367 = arith.addi %xor3A_57, %add3A_366 : vector<16xi32>
      %select_n3A_368 = arith.select %lt3A_364, %add3A_367, %xor3A_57 : vector<16xi1>, vector<16xi32>
      %reshape3A_369 = vector.shape_cast %select_n3A_368 : vector<16xi32> to vector<16x1xi32>
      %gather3A_370 = vector.shape_cast %reshape3A_369 : vector<16x1xi32> to vector<16xi32>
      %gather3A_371 = tpu.dynamic_gather %select_n3A_351[%gather3A_370] in [0] : vector<16xi32>, vector<16xi32> -> vector<16xi32>
      %gt3A_372 = arith.cmpf ogt, %gather3A_361, %select_n3A_350 : vector<16xf32>
      %eq3A_373 = arith.cmpf oeq, %gather3A_361, %select_n3A_350 : vector<16xf32>
      %lt3A_374 = arith.cmpi slt, %gather3A_371, %select_n3A_351 : vector<16xi32>
      %and3A_375 = arith.andi %eq3A_373, %lt3A_374 : vector<16xi1>
      %or3A_376 = arith.ori %gt3A_372, %and3A_375 : vector<16xi1>
      %select_n3A_377 = arith.select %or3A_376, %gather3A_361, %select_n3A_350 : vector<16xi1>, vector<16xf32>
      %select_n3A_378 = arith.select %or3A_376, %gather3A_371, %select_n3A_351 : vector<16xi1>, vector<16xi32>
      %slice3A_379 = vector.extract_strided_slice %select_n3A_377 {offsets = [0], sizes = [1], strides = [1]} : vector<16xf32> to vector<1xf32>
      %squeeze3A_380 = vector.extract %slice3A_379[0] : f32 from vector<1xf32>
      %slice3A_381 = vector.extract_strided_slice %select_n3A_378 {offsets = [0], sizes = [1], strides = [1]} : vector<16xi32> to vector<1xi32>
      %squeeze3A_382 = vector.extract %slice3A_381[0] : i32 from vector<1xi32>
      %and3A_383 = arith.constant 1 : i32
      %and3A_384 = arith.andi %scan3A_262, %and3A_383 : i32
      %add3A_385 = arith.addi %mul3A_32, %squeeze3A_382 : i32
      %convert_element_type3A_386 = arith.sitofp %add3A_385 : i32 to f32
      %add3A_387 = vector.broadcast %squeeze3A_382 : i32 to vector<16xi32>
      %add3A_388 = arith.addi %broadcast_in_dim3A_35, %add3A_387 : vector<16xi32>
      %gather3A_389 = tpu.vector_load_idx %arg4[%add3A_388, %min3A_46] : memref<2048x3xf32, #tpu.memory_space<vmem>>[vector<16xi32>, vector<16xi32>], vector<16xf32>,
      %eq3A_390 = arith.constant 0 : i32
      %eq3A_391 = vector.broadcast %eq3A_390 : i32 to vector<16xi32>
      %eq3A_392 = arith.cmpi eq, %iota3A, %eq3A_391 : vector<16xi32>
      %eq3A_393 = arith.constant 1 : i32
      %eq3A_394 = vector.broadcast %eq3A_393 : i32 to vector<16xi32>
      %eq3A_395 = arith.cmpi eq, %iota3A, %eq3A_394 : vector<16xi32>
      %broadcast_in_dim3A_396 = vector.broadcast %convert_element_type3A_386 : f32 to vector<16xf32>
      %select_n3A_397 = arith.select %eq3A_395, %broadcast_in_dim3A_396, %gather3A_389 : vector<16xi1>, vector<16xf32>
      %broadcast_in_dim3A_398 = vector.broadcast %squeeze3A_380 : f32 to vector<16xf32>
      %select_n3A_399 = arith.select %eq3A_392, %broadcast_in_dim3A_398, %select_n3A_397 : vector<16xi1>, vector<16xf32>
      %swap3A_400 = arith.constant 0 : index
      %swap3A_401 = tpu.vector_load %arg9[%swap3A_400] {strides = array<i32>} : memref<16xf32, #tpu.memory_space<vmem>>, vector<16xf32>,
      tpu.vector_store %arg9[%swap3A_400], %select_n3A_399 {strides = array<i32>} : memref<16xf32, #tpu.memory_space<vmem>>, vector<16xf32>,
      "tpu.region"() ({
        %run_scoped3A_573 = tpu.sem_alloc : memref<!tpu.dma_semaphore, #tpu.memory_space<semaphore_mem>>
        %dma_start3A = arith.constant 0 : i32
        %dma_start3A_574 = tpu.memref_slice %arg13[%and3A_384, %arg1, %dma_start3A] : memref<2x16x16xf32, #tpu.memory_space<vmem_shared>> -> memref<1x1x16xf32, #tpu.memory_space<vmem_shared>>
        %dma_start3A_575 = tpu.memref_squeeze %dma_start3A_574 : memref<1x1x16xf32, #tpu.memory_space<vmem_shared>> -> memref<16xf32, #tpu.memory_space<vmem_shared>>
        %dma_start3A_576 = arith.constant 0 : i32
        %dma_start3A_577 = tpu.memref_slice %arg13[%and3A_384, %arg1, %dma_start3A_576] : memref<2x16x16xf32, #tpu.memory_space<vmem_shared>> -> memref<1x1x16xf32, #tpu.memory_space<vmem_shared>>
        %dma_start3A_578 = tpu.memref_squeeze %dma_start3A_577 : memref<1x1x16xf32, #tpu.memory_space<vmem_shared>> -> memref<16xf32, #tpu.memory_space<vmem_shared>>
        tpu.enqueue_dma source(%arg9 : memref<16xf32, #tpu.memory_space<vmem>>) target(%dma_start3A_578 : memref<16xf32, #tpu.memory_space<vmem_shared>>) target_semaphore(%run_scoped3A_573 : memref<!tpu.dma_semaphore, #tpu.memory_space<semaphore_mem>>)
        %dma_wait3A = arith.constant 0 : i32
        %dma_wait3A_579 = tpu.memref_slice %arg13[%and3A_384, %arg1, %dma_wait3A] : memref<2x16x16xf32, #tpu.memory_space<vmem_shared>> -> memref<1x1x16xf32, #tpu.memory_space<vmem_shared>>
        %dma_wait3A_580 = tpu.memref_squeeze %dma_wait3A_579 : memref<1x1x16xf32, #tpu.memory_space<vmem_shared>> -> memref<16xf32, #tpu.memory_space<vmem_shared>>
        %dma_wait3A_581 = arith.constant 0 : i32
        %dma_wait3A_582 = tpu.memref_slice %arg13[%and3A_384, %arg1, %dma_wait3A_581] : memref<2x16x16xf32, #tpu.memory_space<vmem_shared>> -> memref<1x1x16xf32, #tpu.memory_space<vmem_shared>>
        %dma_wait3A_583 = tpu.memref_squeeze %dma_wait3A_582 : memref<1x1x16xf32, #tpu.memory_space<vmem_shared>> -> memref<16xf32, #tpu.memory_space<vmem_shared>>
        tpu.wait_dma2 semaphore(%run_scoped3A_573 : memref<!tpu.dma_semaphore, #tpu.memory_space<semaphore_mem>>) src(%arg9 : memref<16xf32, #tpu.memory_space<vmem>>) dst(%dma_wait3A_583 : memref<16xf32, #tpu.memory_space<vmem_shared>>)
        tpu.yield
      }) : () -> ()
      %barrier3A_402 = arith.constant 0 : index
      tpu.barrier barrier_id(%barrier3A_402)
      %mul3A_403 = arith.constant 8 : i32
      %mul3A_404 = arith.muli %select_n3A, %mul3A_403 : i32
      "tpu.region"() ({
        %run_scoped3A_573 = tpu.sem_alloc : memref<!tpu.dma_semaphore, #tpu.memory_space<semaphore_mem>>
        %dma_start3A = arith.constant 0 : i32
        %dma_start3A_574 = tpu.memref_slice %arg13[%and3A_384, %mul3A_404, %dma_start3A] : memref<2x16x16xf32, #tpu.memory_space<vmem_shared>> -> memref<1x8x16xf32, #tpu.memory_space<vmem_shared>>
        %dma_start3A_575 = tpu.memref_squeeze %dma_start3A_574 : memref<1x8x16xf32, #tpu.memory_space<vmem_shared>> -> memref<8x16xf32, #tpu.memory_space<vmem_shared>>
        %dma_start3A_576 = arith.constant 0 : i32
        %dma_start3A_577 = tpu.memref_slice %arg13[%and3A_384, %mul3A_404, %dma_start3A_576] : memref<2x16x16xf32, #tpu.memory_space<vmem_shared>> -> memref<1x8x16xf32, #tpu.memory_space<vmem_shared>>
        %dma_start3A_578 = tpu.memref_squeeze %dma_start3A_577 : memref<1x8x16xf32, #tpu.memory_space<vmem_shared>> -> memref<8x16xf32, #tpu.memory_space<vmem_shared>>
        tpu.enqueue_dma source(%dma_start3A_578 : memref<8x16xf32, #tpu.memory_space<vmem_shared>>) target(%arg10 : memref<8x16xf32, #tpu.memory_space<vmem>>) target_semaphore(%run_scoped3A_573 : memref<!tpu.dma_semaphore, #tpu.memory_space<semaphore_mem>>)
        %dma_wait3A = arith.constant 0 : i32
        %dma_wait3A_579 = tpu.memref_slice %arg13[%and3A_384, %mul3A_404, %dma_wait3A] : memref<2x16x16xf32, #tpu.memory_space<vmem_shared>> -> memref<1x8x16xf32, #tpu.memory_space<vmem_shared>>
        %dma_wait3A_580 = tpu.memref_squeeze %dma_wait3A_579 : memref<1x8x16xf32, #tpu.memory_space<vmem_shared>> -> memref<8x16xf32, #tpu.memory_space<vmem_shared>>
        %dma_wait3A_581 = arith.constant 0 : i32
        %dma_wait3A_582 = tpu.memref_slice %arg13[%and3A_384, %mul3A_404, %dma_wait3A_581] : memref<2x16x16xf32, #tpu.memory_space<vmem_shared>> -> memref<1x8x16xf32, #tpu.memory_space<vmem_shared>>
        %dma_wait3A_583 = tpu.memref_squeeze %dma_wait3A_582 : memref<1x8x16xf32, #tpu.memory_space<vmem_shared>> -> memref<8x16xf32, #tpu.memory_space<vmem_shared>>
        tpu.wait_dma2 semaphore(%run_scoped3A_573 : memref<!tpu.dma_semaphore, #tpu.memory_space<semaphore_mem>>) src(%dma_wait3A_583 : memref<8x16xf32, #tpu.memory_space<vmem_shared>>) dst(%arg10 : memref<8x16xf32, #tpu.memory_space<vmem>>)
        tpu.yield
      }) : () -> ()
      %and3A_405 = arith.constant 7 : i32
      %and3A_406 = vector.broadcast %and3A_405 : i32 to vector<16xi32>
      %and3A_407 = arith.andi %iota3A, %and3A_406 : vector<16xi32>
      %gather3A_408 = tpu.vector_load_idx %arg10[%and3A_407, %broadcast_in_dim3A_35] : memref<8x16xf32, #tpu.memory_space<vmem>>[vector<16xi32>, vector<16xi32>], vector<16xf32>,
      %gather3A_409 = tpu.vector_load_idx %arg10[%and3A_407, %broadcast_in_dim3A_37] : memref<8x16xf32, #tpu.memory_space<vmem>>[vector<16xi32>, vector<16xi32>], vector<16xf32>,
      %lt3A_410 = arith.constant 0 : i32
      %lt3A_411 = vector.broadcast %lt3A_410 : i32 to vector<16xi32>
      %lt3A_412 = arith.cmpi slt, %xor3A_48, %lt3A_411 : vector<16xi32>
      %add3A_413 = arith.constant 16 : i32
      %add3A_414 = vector.broadcast %add3A_413 : i32 to vector<16xi32>
      %add3A_415 = arith.addi %xor3A_48, %add3A_414 : vector<16xi32>
      %select_n3A_416 = arith.select %lt3A_412, %add3A_415, %xor3A_48 : vector<16xi1>, vector<16xi32>
      %reshape3A_417 = vector.shape_cast %select_n3A_416 : vector<16xi32> to vector<16x1xi32>
      %gather3A_418 = vector.shape_cast %reshape3A_417 : vector<16x1xi32> to vector<16xi32>
      %gather3A_419 = tpu.dynamic_gather %gather3A_408[%gather3A_418] in [0] : vector<16xf32>, vector<16xi32> -> vector<16xf32>
      %lt3A_420 = arith.constant 0 : i32
      %lt3A_421 = vector.broadcast %lt3A_420 : i32 to vector<16xi32>
      %lt3A_422 = arith.cmpi slt, %xor3A_48, %lt3A_421 : vector<16xi32>
      %add3A_423 = arith.constant 16 : i32
      %add3A_424 = vector.broadcast %add3A_423 : i32 to vector<16xi32>
      %add3A_425 = arith.addi %xor3A_48, %add3A_424 : vector<16xi32>
      %select_n3A_426 = arith.select %lt3A_422, %add3A_425, %xor3A_48 : vector<16xi1>, vector<16xi32>
      %reshape3A_427 = vector.shape_cast %select_n3A_426 : vector<16xi32> to vector<16x1xi32>
      %gather3A_428 = vector.shape_cast %reshape3A_427 : vector<16x1xi32> to vector<16xi32>
      %gather3A_429 = tpu.dynamic_gather %gather3A_409[%gather3A_428] in [0] : vector<16xf32>, vector<16xi32> -> vector<16xf32>
      %gt3A_430 = arith.cmpf ogt, %gather3A_419, %gather3A_408 : vector<16xf32>
      %eq3A_431 = arith.cmpf oeq, %gather3A_419, %gather3A_408 : vector<16xf32>
      %lt3A_432 = arith.cmpf olt, %gather3A_429, %gather3A_409 : vector<16xf32>
      %and3A_433 = arith.andi %eq3A_431, %lt3A_432 : vector<16xi1>
      %or3A_434 = arith.ori %gt3A_430, %and3A_433 : vector<16xi1>
      %select_n3A_435 = arith.select %or3A_434, %gather3A_419, %gather3A_408 : vector<16xi1>, vector<16xf32>
      %select_n3A_436 = arith.select %or3A_434, %gather3A_429, %gather3A_409 : vector<16xi1>, vector<16xf32>
      %lt3A_437 = arith.constant 0 : i32
      %lt3A_438 = vector.broadcast %lt3A_437 : i32 to vector<16xi32>
      %lt3A_439 = arith.cmpi slt, %xor3A_48, %lt3A_438 : vector<16xi32>
      %add3A_440 = arith.constant 16 : i32
      %add3A_441 = vector.broadcast %add3A_440 : i32 to vector<16xi32>
      %add3A_442 = arith.addi %xor3A_48, %add3A_441 : vector<16xi32>
      %select_n3A_443 = arith.select %lt3A_439, %add3A_442, %xor3A_48 : vector<16xi1>, vector<16xi32>
      %reshape3A_444 = vector.shape_cast %select_n3A_443 : vector<16xi32> to vector<16x1xi32>
      %gather3A_445 = vector.shape_cast %reshape3A_444 : vector<16x1xi32> to vector<16xi32>
      %gather3A_446 = tpu.dynamic_gather %and3A_407[%gather3A_445] in [0] : vector<16xi32>, vector<16xi32> -> vector<16xi32>
      %select_n3A_447 = arith.select %or3A_434, %gather3A_446, %and3A_407 : vector<16xi1>, vector<16xi32>
      %lt3A_448 = arith.constant 0 : i32
      %lt3A_449 = vector.broadcast %lt3A_448 : i32 to vector<16xi32>
      %lt3A_450 = arith.cmpi slt, %xor3A_51, %lt3A_449 : vector<16xi32>
      %add3A_451 = arith.constant 16 : i32
      %add3A_452 = vector.broadcast %add3A_451 : i32 to vector<16xi32>
      %add3A_453 = arith.addi %xor3A_51, %add3A_452 : vector<16xi32>
      %select_n3A_454 = arith.select %lt3A_450, %add3A_453, %xor3A_51 : vector<16xi1>, vector<16xi32>
      %reshape3A_455 = vector.shape_cast %select_n3A_454 : vector<16xi32> to vector<16x1xi32>
      %gather3A_456 = vector.shape_cast %reshape3A_455 : vector<16x1xi32> to vector<16xi32>
      %gather3A_457 = tpu.dynamic_gather %select_n3A_435[%gather3A_456] in [0] : vector<16xf32>, vector<16xi32> -> vector<16xf32>
      %lt3A_458 = arith.constant 0 : i32
      %lt3A_459 = vector.broadcast %lt3A_458 : i32 to vector<16xi32>
      %lt3A_460 = arith.cmpi slt, %xor3A_51, %lt3A_459 : vector<16xi32>
      %add3A_461 = arith.constant 16 : i32
      %add3A_462 = vector.broadcast %add3A_461 : i32 to vector<16xi32>
      %add3A_463 = arith.addi %xor3A_51, %add3A_462 : vector<16xi32>
      %select_n3A_464 = arith.select %lt3A_460, %add3A_463, %xor3A_51 : vector<16xi1>, vector<16xi32>
      %reshape3A_465 = vector.shape_cast %select_n3A_464 : vector<16xi32> to vector<16x1xi32>
      %gather3A_466 = vector.shape_cast %reshape3A_465 : vector<16x1xi32> to vector<16xi32>
      %gather3A_467 = tpu.dynamic_gather %select_n3A_436[%gather3A_466] in [0] : vector<16xf32>, vector<16xi32> -> vector<16xf32>
      %gt3A_468 = arith.cmpf ogt, %gather3A_457, %select_n3A_435 : vector<16xf32>
      %eq3A_469 = arith.cmpf oeq, %gather3A_457, %select_n3A_435 : vector<16xf32>
      %lt3A_470 = arith.cmpf olt, %gather3A_467, %select_n3A_436 : vector<16xf32>
      %and3A_471 = arith.andi %eq3A_469, %lt3A_470 : vector<16xi1>
      %or3A_472 = arith.ori %gt3A_468, %and3A_471 : vector<16xi1>
      %select_n3A_473 = arith.select %or3A_472, %gather3A_457, %select_n3A_435 : vector<16xi1>, vector<16xf32>
      %select_n3A_474 = arith.select %or3A_472, %gather3A_467, %select_n3A_436 : vector<16xi1>, vector<16xf32>
      %lt3A_475 = arith.constant 0 : i32
      %lt3A_476 = vector.broadcast %lt3A_475 : i32 to vector<16xi32>
      %lt3A_477 = arith.cmpi slt, %xor3A_51, %lt3A_476 : vector<16xi32>
      %add3A_478 = arith.constant 16 : i32
      %add3A_479 = vector.broadcast %add3A_478 : i32 to vector<16xi32>
      %add3A_480 = arith.addi %xor3A_51, %add3A_479 : vector<16xi32>
      %select_n3A_481 = arith.select %lt3A_477, %add3A_480, %xor3A_51 : vector<16xi1>, vector<16xi32>
      %reshape3A_482 = vector.shape_cast %select_n3A_481 : vector<16xi32> to vector<16x1xi32>
      %gather3A_483 = vector.shape_cast %reshape3A_482 : vector<16x1xi32> to vector<16xi32>
      %gather3A_484 = tpu.dynamic_gather %select_n3A_447[%gather3A_483] in [0] : vector<16xi32>, vector<16xi32> -> vector<16xi32>
      %select_n3A_485 = arith.select %or3A_472, %gather3A_484, %select_n3A_447 : vector<16xi1>, vector<16xi32>
      %lt3A_486 = arith.constant 0 : i32
      %lt3A_487 = vector.broadcast %lt3A_486 : i32 to vector<16xi32>
      %lt3A_488 = arith.cmpi slt, %xor3A_54, %lt3A_487 : vector<16xi32>
      %add3A_489 = arith.constant 16 : i32
      %add3A_490 = vector.broadcast %add3A_489 : i32 to vector<16xi32>
      %add3A_491 = arith.addi %xor3A_54, %add3A_490 : vector<16xi32>
      %select_n3A_492 = arith.select %lt3A_488, %add3A_491, %xor3A_54 : vector<16xi1>, vector<16xi32>
      %reshape3A_493 = vector.shape_cast %select_n3A_492 : vector<16xi32> to vector<16x1xi32>
      %gather3A_494 = vector.shape_cast %reshape3A_493 : vector<16x1xi32> to vector<16xi32>
      %gather3A_495 = tpu.dynamic_gather %select_n3A_473[%gather3A_494] in [0] : vector<16xf32>, vector<16xi32> -> vector<16xf32>
      %lt3A_496 = arith.constant 0 : i32
      %lt3A_497 = vector.broadcast %lt3A_496 : i32 to vector<16xi32>
      %lt3A_498 = arith.cmpi slt, %xor3A_54, %lt3A_497 : vector<16xi32>
      %add3A_499 = arith.constant 16 : i32
      %add3A_500 = vector.broadcast %add3A_499 : i32 to vector<16xi32>
      %add3A_501 = arith.addi %xor3A_54, %add3A_500 : vector<16xi32>
      %select_n3A_502 = arith.select %lt3A_498, %add3A_501, %xor3A_54 : vector<16xi1>, vector<16xi32>
      %reshape3A_503 = vector.shape_cast %select_n3A_502 : vector<16xi32> to vector<16x1xi32>
      %gather3A_504 = vector.shape_cast %reshape3A_503 : vector<16x1xi32> to vector<16xi32>
      %gather3A_505 = tpu.dynamic_gather %select_n3A_474[%gather3A_504] in [0] : vector<16xf32>, vector<16xi32> -> vector<16xf32>
      %gt3A_506 = arith.cmpf ogt, %gather3A_495, %select_n3A_473 : vector<16xf32>
      %eq3A_507 = arith.cmpf oeq, %gather3A_495, %select_n3A_473 : vector<16xf32>
      %lt3A_508 = arith.cmpf olt, %gather3A_505, %select_n3A_474 : vector<16xf32>
      %and3A_509 = arith.andi %eq3A_507, %lt3A_508 : vector<16xi1>
      %or3A_510 = arith.ori %gt3A_506, %and3A_509 : vector<16xi1>
      %select_n3A_511 = arith.select %or3A_510, %gather3A_495, %select_n3A_473 : vector<16xi1>, vector<16xf32>
      %select_n3A_512 = arith.select %or3A_510, %gather3A_505, %select_n3A_474 : vector<16xi1>, vector<16xf32>
      %lt3A_513 = arith.constant 0 : i32
      %lt3A_514 = vector.broadcast %lt3A_513 : i32 to vector<16xi32>
      %lt3A_515 = arith.cmpi slt, %xor3A_54, %lt3A_514 : vector<16xi32>
      %add3A_516 = arith.constant 16 : i32
      %add3A_517 = vector.broadcast %add3A_516 : i32 to vector<16xi32>
      %add3A_518 = arith.addi %xor3A_54, %add3A_517 : vector<16xi32>
      %select_n3A_519 = arith.select %lt3A_515, %add3A_518, %xor3A_54 : vector<16xi1>, vector<16xi32>
      %reshape3A_520 = vector.shape_cast %select_n3A_519 : vector<16xi32> to vector<16x1xi32>
      %gather3A_521 = vector.shape_cast %reshape3A_520 : vector<16x1xi32> to vector<16xi32>
      %gather3A_522 = tpu.dynamic_gather %select_n3A_485[%gather3A_521] in [0] : vector<16xi32>, vector<16xi32> -> vector<16xi32>
      %select_n3A_523 = arith.select %or3A_510, %gather3A_522, %select_n3A_485 : vector<16xi1>, vector<16xi32>
      %lt3A_524 = arith.constant 0 : i32
      %lt3A_525 = vector.broadcast %lt3A_524 : i32 to vector<16xi32>
      %lt3A_526 = arith.cmpi slt, %xor3A_57, %lt3A_525 : vector<16xi32>
      %add3A_527 = arith.constant 16 : i32
      %add3A_528 = vector.broadcast %add3A_527 : i32 to vector<16xi32>
      %add3A_529 = arith.addi %xor3A_57, %add3A_528 : vector<16xi32>
      %select_n3A_530 = arith.select %lt3A_526, %add3A_529, %xor3A_57 : vector<16xi1>, vector<16xi32>
      %reshape3A_531 = vector.shape_cast %select_n3A_530 : vector<16xi32> to vector<16x1xi32>
      %gather3A_532 = vector.shape_cast %reshape3A_531 : vector<16x1xi32> to vector<16xi32>
      %gather3A_533 = tpu.dynamic_gather %select_n3A_511[%gather3A_532] in [0] : vector<16xf32>, vector<16xi32> -> vector<16xf32>
      %lt3A_534 = arith.constant 0 : i32
      %lt3A_535 = vector.broadcast %lt3A_534 : i32 to vector<16xi32>
      %lt3A_536 = arith.cmpi slt, %xor3A_57, %lt3A_535 : vector<16xi32>
      %add3A_537 = arith.constant 16 : i32
      %add3A_538 = vector.broadcast %add3A_537 : i32 to vector<16xi32>
      %add3A_539 = arith.addi %xor3A_57, %add3A_538 : vector<16xi32>
      %select_n3A_540 = arith.select %lt3A_536, %add3A_539, %xor3A_57 : vector<16xi1>, vector<16xi32>
      %reshape3A_541 = vector.shape_cast %select_n3A_540 : vector<16xi32> to vector<16x1xi32>
      %gather3A_542 = vector.shape_cast %reshape3A_541 : vector<16x1xi32> to vector<16xi32>
      %gather3A_543 = tpu.dynamic_gather %select_n3A_512[%gather3A_542] in [0] : vector<16xf32>, vector<16xi32> -> vector<16xf32>
      %gt3A_544 = arith.cmpf ogt, %gather3A_533, %select_n3A_511 : vector<16xf32>
      %eq3A_545 = arith.cmpf oeq, %gather3A_533, %select_n3A_511 : vector<16xf32>
      %lt3A_546 = arith.cmpf olt, %gather3A_543, %select_n3A_512 : vector<16xf32>
      %and3A_547 = arith.andi %eq3A_545, %lt3A_546 : vector<16xi1>
      %or3A_548 = arith.ori %gt3A_544, %and3A_547 : vector<16xi1>
      %select_n3A_549 = arith.select %or3A_548, %gather3A_533, %select_n3A_511 : vector<16xi1>, vector<16xf32>
      %select_n3A_550 = arith.select %or3A_548, %gather3A_543, %select_n3A_512 : vector<16xi1>, vector<16xf32>
      %lt3A_551 = arith.constant 0 : i32
      %lt3A_552 = vector.broadcast %lt3A_551 : i32 to vector<16xi32>
      %lt3A_553 = arith.cmpi slt, %xor3A_57, %lt3A_552 : vector<16xi32>
      %add3A_554 = arith.constant 16 : i32
      %add3A_555 = vector.broadcast %add3A_554 : i32 to vector<16xi32>
      %add3A_556 = arith.addi %xor3A_57, %add3A_555 : vector<16xi32>
      %select_n3A_557 = arith.select %lt3A_553, %add3A_556, %xor3A_57 : vector<16xi1>, vector<16xi32>
      %reshape3A_558 = vector.shape_cast %select_n3A_557 : vector<16xi32> to vector<16x1xi32>
      %gather3A_559 = vector.shape_cast %reshape3A_558 : vector<16x1xi32> to vector<16xi32>
      %gather3A_560 = tpu.dynamic_gather %select_n3A_523[%gather3A_559] in [0] : vector<16xi32>, vector<16xi32> -> vector<16xi32>
      %select_n3A_561 = arith.select %or3A_548, %gather3A_560, %select_n3A_523 : vector<16xi1>, vector<16xi32>
      %gather3A_562 = tpu.vector_load_idx %arg10[%select_n3A_561, %iota3A] : memref<8x16xf32, #tpu.memory_space<vmem>>[vector<16xi32>, vector<16xi32>], vector<16xf32>,
      %mul3A_563 = arith.constant 16 : i32
      %mul3A_564 = arith.muli %scan3A_262, %mul3A_563 : i32
      %swap3A_565 = arith.index_cast %mul3A_564 : i32 to index
      %swap3A_566 = tpu.vector_load %arg11[%swap3A_565] {strides = array<i32>} : memref<32768xf32, #tpu.memory_space<vmem>>, vector<16xf32>,
      tpu.vector_store %arg11[%swap3A_565], %gather3A_562 {strides = array<i32>} : memref<32768xf32, #tpu.memory_space<vmem>>, vector<16xf32>,
      %slice3A_567 = vector.extract_strided_slice %gather3A_562 {offsets = [2], sizes = [1], strides = [1]} : vector<16xf32> to vector<1xf32>
      %squeeze3A_568 = vector.extract %slice3A_567[0] : f32 from vector<1xf32>
      %slice3A_569 = vector.extract_strided_slice %gather3A_562 {offsets = [3], sizes = [1], strides = [1]} : vector<16xf32> to vector<1xf32>
      %squeeze3A_570 = vector.extract %slice3A_569[0] : f32 from vector<1xf32>
      %slice3A_571 = vector.extract_strided_slice %gather3A_562 {offsets = [4], sizes = [1], strides = [1]} : vector<16xf32> to vector<1xf32>
      %squeeze3A_572 = vector.extract %slice3A_571[0] : f32 from vector<1xf32>
      scf.yield %squeeze3A_568, %squeeze3A_570, %squeeze3A_572 : f32, f32, f32
    }
    %scan3A_253 = arith.constant 2047 : i32
    %scan3A_254 = arith.constant 0 : i32
    %scan3A_255 = arith.constant 0 : i32
    %scan3A_256 = arith.constant 128 : i32
    %scan3A_257 = arith.addi %scan3A_255, %scan3A_256 : i32
    %scan3A_258 = arith.constant 1 : i32
    %scan3A_259 = scf.for %scan3A_262 = %scan3A_255 to %scan3A_257 step %scan3A_258 iter_args(%scan3A_263 = %scan3A_254) -> (i32)  : i32 {
      %mul3A_264 = arith.constant 16 : i32
      %mul3A_265 = arith.muli %scan3A_262, %mul3A_264 : i32
      %add3A_266 = vector.broadcast %mul3A_265 : i32 to vector<16xi32>
      %add3A_267 = arith.addi %add3A_266, %iota3A : vector<16xi32>
      %mul3A_268 = arith.constant 16 : i32
      %mul3A_269 = vector.broadcast %mul3A_268 : i32 to vector<16xi32>
      %mul3A_270 = arith.muli %add3A_267, %mul3A_269 : vector<16xi32>
      %add3A_271 = arith.constant 2 : i32
      %add3A_272 = vector.broadcast %add3A_271 : i32 to vector<16xi32>
      %add3A_273 = arith.addi %mul3A_270, %add3A_272 : vector<16xi32>
      %gather3A_274 = tpu.vector_load_idx %arg11[%add3A_273] : memref<32768xf32, #tpu.memory_space<vmem>>[vector<16xi32>], vector<16xf32>,
      %mul3A_275 = arith.constant 16 : i32
      %mul3A_276 = vector.broadcast %mul3A_275 : i32 to vector<16xi32>
      %mul3A_277 = arith.muli %add3A_267, %mul3A_276 : vector<16xi32>
      %add3A_278 = arith.constant 3 : i32
      %add3A_279 = vector.broadcast %add3A_278 : i32 to vector<16xi32>
      %add3A_280 = arith.addi %mul3A_277, %add3A_279 : vector<16xi32>
      %gather3A_281 = tpu.vector_load_idx %arg11[%add3A_280] : memref<32768xf32, #tpu.memory_space<vmem>>[vector<16xi32>], vector<16xf32>,
      %mul3A_282 = arith.constant 16 : i32
      %mul3A_283 = vector.broadcast %mul3A_282 : i32 to vector<16xi32>
      %mul3A_284 = arith.muli %add3A_267, %mul3A_283 : vector<16xi32>
      %add3A_285 = arith.constant 4 : i32
      %add3A_286 = vector.broadcast %add3A_285 : i32 to vector<16xi32>
      %add3A_287 = arith.addi %mul3A_284, %add3A_286 : vector<16xi32>
      %gather3A_288 = tpu.vector_load_idx %arg11[%add3A_287] : memref<32768xf32, #tpu.memory_space<vmem>>[vector<16xi32>], vector<16xf32>,
      tpu.vector_store_idx %arg12[%add3A_267, %broadcast_in_dim3A_35], %gather3A_274 : memref<2048x3xf32, #tpu.memory_space<vmem>>[vector<16xi32>, vector<16xi32>], vector<16xf32>,
      tpu.vector_store_idx %arg12[%add3A_267, %broadcast_in_dim3A_37], %gather3A_281 : memref<2048x3xf32, #tpu.memory_space<vmem>>[vector<16xi32>, vector<16xi32>], vector<16xf32>,
      tpu.vector_store_idx %arg12[%add3A_267, %broadcast_in_dim3A_39], %gather3A_288 : memref<2048x3xf32, #tpu.memory_space<vmem>>[vector<16xi32>, vector<16xi32>], vector<16xf32>,
      %scan3A_289 = arith.constant 0 : i32
      scf.yield %scan3A_289 : i32
    }
    %scan3A_260 = arith.constant 128 : i32
    %convert_element_type3A = arith.extui %eq3A_34 : i1 to i32
    %cond3A = arith.constant 0 : i32
    %cond3A_261 = arith.cmpi ne, %convert_element_type3A, %cond3A : i32
    scf.if %cond3A_261 {
      "tpu.region"() ({
        %run_scoped3A_262 = tpu.sem_alloc : memref<!tpu.dma_semaphore, #tpu.memory_space<semaphore_mem>>
        %dma_start3A = arith.constant 0 : i32
        %dma_start3A_263 = arith.constant 0 : i32
        %dma_start3A_264 = tpu.memref_slice %arg3[%add3A_30, %dma_start3A, %dma_start3A_263] : memref<4x2048x3xf32, #tpu.memory_space<hbm>> -> memref<1x2048x3xf32, #tpu.memory_space<hbm>>
        %dma_start3A_265 = tpu.memref_squeeze %dma_start3A_264 : memref<1x2048x3xf32, #tpu.memory_space<hbm>> -> memref<2048x3xf32, #tpu.memory_space<hbm>>
        %dma_start3A_266 = arith.constant 0 : i32
        %dma_start3A_267 = arith.constant 0 : i32
        %dma_start3A_268 = tpu.memref_slice %arg3[%add3A_30, %dma_start3A_266, %dma_start3A_267] : memref<4x2048x3xf32, #tpu.memory_space<hbm>> -> memref<1x2048x3xf32, #tpu.memory_space<hbm>>
        %dma_start3A_269 = tpu.memref_squeeze %dma_start3A_268 : memref<1x2048x3xf32, #tpu.memory_space<hbm>> -> memref<2048x3xf32, #tpu.memory_space<hbm>>
        tpu.enqueue_dma source(%arg12 : memref<2048x3xf32, #tpu.memory_space<vmem>>) target(%dma_start3A_269 : memref<2048x3xf32, #tpu.memory_space<hbm>>) target_semaphore(%run_scoped3A_262 : memref<!tpu.dma_semaphore, #tpu.memory_space<semaphore_mem>>)
        %dma_wait3A = arith.constant 0 : i32
        %dma_wait3A_270 = arith.constant 0 : i32
        %dma_wait3A_271 = tpu.memref_slice %arg3[%add3A_30, %dma_wait3A, %dma_wait3A_270] : memref<4x2048x3xf32, #tpu.memory_space<hbm>> -> memref<1x2048x3xf32, #tpu.memory_space<hbm>>
        %dma_wait3A_272 = tpu.memref_squeeze %dma_wait3A_271 : memref<1x2048x3xf32, #tpu.memory_space<hbm>> -> memref<2048x3xf32, #tpu.memory_space<hbm>>
        %dma_wait3A_273 = arith.constant 0 : i32
        %dma_wait3A_274 = arith.constant 0 : i32
        %dma_wait3A_275 = tpu.memref_slice %arg3[%add3A_30, %dma_wait3A_273, %dma_wait3A_274] : memref<4x2048x3xf32, #tpu.memory_space<hbm>> -> memref<1x2048x3xf32, #tpu.memory_space<hbm>>
        %dma_wait3A_276 = tpu.memref_squeeze %dma_wait3A_275 : memref<1x2048x3xf32, #tpu.memory_space<hbm>> -> memref<2048x3xf32, #tpu.memory_space<hbm>>
        tpu.wait_dma2 semaphore(%run_scoped3A_262 : memref<!tpu.dma_semaphore, #tpu.memory_space<semaphore_mem>>) src(%arg12 : memref<2048x3xf32, #tpu.memory_space<vmem>>) dst(%dma_wait3A_276 : memref<2048x3xf32, #tpu.memory_space<hbm>>)
        tpu.yield
      }) : () -> ()
    } else {
    }
    return
  }
}

</mosaic_0001>

<sc_bundles>
// kernel: _fps.3.cloned.1.call-start
scs
__scs_entry_jumppad:
0x0: {  	(pc) =	sbr.rel $0x88, $3  }
0x1: {  	(tag) =	ssettag $0x0;
	lr =	simm.s32 $0x1  }
0x2: {  	[smem:$0x3FA0] =	sst lr;
	_ =	strace $0xD0000000  }
0x3: {  	_ = 	snop  }
0x4: {  	_ = 	snop  }
0x5: {  	_ = 	snop  }
0x6: {  	_ = 	snop  }
0x7: {  	_ = 	snop  }
__scs_overlays_trampoline_lowered:
0x8: {  	[smem:$0x3FAF] =	sst s0  }
0x9: {  	[smem:$0x3FB0] =	sst s1  }
0xa: {  	[smem:$0x3FB1] =	sst s2  }
0xb: {  	[smem:$0x3FB2] =	sst s3  }
0xc: {  	[smem:$0x3FB3] =	sst s4  }
0xd: {  	[smem:$0x3FB4] =	sst s5  }
0xe: {  	[smem:$0x3FB5] =	sst s6  }
0xf: {  	[smem:$0x3FB6] =	sst s7  }
0x10: {  	[smem:$0x3FB7] =	sst s8  }
0x11: {  	[smem:$0x3FB8] =	sst s9;
	s0 =	simm.s32 @!p0 $0x0  }
0x12: {  	s1 =	sld [smem:$0x3F9E];
	s0 =	simm.s32 @p0 $0x1  }
0x13: {  	[smem:$0x3FB9] =	sst s0;
	s0 =	simm.s32 @!p1 $0x0  }
0x14: {  	s2 =	sld [smem:$0x3F9D];
	s0 =	simm.s32 @p1 $0x1  }
0x15: {  	[smem:$0x3FBA] =	sst s0;
	s0 =	simm.s32 @!p2 $0x0  }
0x16: {  	s3 =	sld [smem:$0x3FDB];
	s0 =	simm.s32 @p2 $0x1  }
0x17: {  	s4 =	simm.s32 $0x1BF5;
	[smem:$0x3FBC] =	sst s0  }
0x18: {  	s0 =	sld [smem:$0x3F9F];
	_ =	swait.ge [sflag:s4], $0x0  }
0x19: {  	s7 =	sld [smem:$0x3FA0]  }
0x1a: {  	s8 =	sadd.s32 $0xFFFFE003, lr  }
0x1b: {  	s9 =	sadd.s32 $0xFFFFFEF7, lr;
	s5 =	simm.s32 $0xFFFFFFFF;
	p2 =	slt.u32 s8, $0xFFFFF086  }
0x1c: {  	p1 =	slt.u32 s9, $0xF7A;
	s5 =	simm.s32 @!p2 $0x0  }
0x1d: {  	s5 =	simm.s32 @p1 $0x1;
	p0 =	seq.s32 s7, s2  }
0x1e: {  	s7 =	smul.u32 @!p0 $0xF7A, s2;
	p2 =	seq.s32 @!p0 s5, $0x0  }
0x1f: {  	s9 =	smul.u32 $0xF7A, s1;
	s8 =	simm.s32 @!p0 $0x1BF5;
	p2 =	por !p2, p0  }
0x20: {  	[sflag:s8] =	ssyncset.s32 @!p0 $0xFFFFF086;
	s6 =	sadd.s32 @!p0 s3, s7;
	s7 =	simm.s32 @!p0 $0x108  }
0x21: {  	s3 =	sadd.s32 s3, s9;
	s6 =	sadd.s32 @!p0 $0x88, s6;
	s7 =	simm.s32 @p2 $0x1082  }
0x22: {  	[simem:s7], [sflag:s8] =	dma.local @!p0 [hbm:s6], $0xF7A  }
0x23: {  	s9 =	sor.u32 $0xD0000000, s2;
	s6 =	simm.s32 $0x108;
	_ =	swait.ge @!p0 [sflag:s8], $0x0  }
0x24: {  	s3 =	sadd.s32 $0x88, s3;
	s6 =	simm.s32 @!p1 $0x1082;
	[sflag:s4] =	ssyncset.s32 $0xFFFFF086  }
0x25: {  	[simem:s6], [sflag:s4] =	dma.local [hbm:s3], $0xF7A  }
0x26: {  	[smem:$0x3FA0] =	sst s1;
	(tag) =	ssettag s2;
	_ =	strace s9  }
0x27: {  	s1 =	sld [smem:$0x3FB0]  }
0x28: {  	s2 =	sld [smem:$0x3FB1]  }
0x29: {  	s4 =	sld [smem:$0x3FB3]  }
0x2a: {  	p0 =	seq.s32 s5, $0x0;
	s5 =	sld [smem:$0x3FB4]  }
0x2b: {  	s6 =	sld [smem:$0x3FB5]  }
0x2c: {  	s7 =	sld [smem:$0x3FB6]  }
0x2d: {  	s3 =	simm.s32 $0x108;
	s8 =	sld [smem:$0x3FB7]  }
0x2e: {  	s3 =	simm.s32 @!p0 $0x1082;
	s9 =	sld [smem:$0x3FB8]  }
0x2f: {  	lr =	sadd.s32 s0, s3;
	s0 =	sld [smem:$0x3FAF]  }
0x30: {  	s3 =	sld [smem:$0x3FB2]  }
0x31: {  	[smem:$0x3FBB] =	sst s10  }
0x32: {  	s10 =	sld [smem:$0x3FB9];
	_ =	sdelay $0x3  }
0x33: {  	p0 =	seq.s32 s10, $0x1;
	s10 =	sld [smem:$0x3FBB];
	_ =	sdelay $0x3  }
0x34: {  	[smem:$0x3FBB] =	sst s10  }
0x35: {  	s10 =	sld [smem:$0x3FBA];
	_ =	sdelay $0x3  }
0x36: {  	p1 =	seq.s32 s10, $0x1;
	s10 =	sld [smem:$0x3FBB];
	_ =	sdelay $0x3  }
0x37: {  	[smem:$0x3FBB] =	sst s10  }
0x38: {  	s10 =	sld [smem:$0x3FBC]  }
0x39: {  	_ = 	snop;
	(pc) =	sbr.ind lr, $3  }
0x3a: {  	_ = 	snop  }
0x3b: {  	_ = 	snop  }
0x3c: {  	p2 =	seq.s32 s10, $0x1;
	s10 =	sld [smem:$0x3FBB]  }
0x3d: {  	_ =	shalt  }
0x3e: {  	_ =	shalt  }
0x3f: {  	_ =	shalt  }
0x40: {  	_ =	shalt  }
0x41: {  	_ =	shalt  }
0x42: {  	_ =	shalt  }
0x43: {  	_ =	shalt  }
0x44: {  	_ =	shalt  }
0x45: {  	_ =	shalt  }
0x46: {  	_ =	shalt  }
0x47: {  	_ =	shalt  }
0x48: {  	_ =	shalt  }
0x49: {  	_ =	shalt  }
0x4a: {  	_ =	shalt  }
0x4b: {  	_ =	shalt  }
0x4c: {  	_ =	shalt  }
0x4d: {  	_ =	shalt  }
0x4e: {  	_ =	shalt  }
0x4f: {  	_ =	shalt  }
0x50: {  	_ =	shalt  }
0x51: {  	_ =	shalt  }
0x52: {  	_ =	shalt  }
0x53: {  	_ =	shalt  }
0x54: {  	_ =	shalt  }
0x55: {  	_ =	shalt  }
0x56: {  	_ =	shalt  }
0x57: {  	_ =	shalt  }
0x58: {  	_ =	shalt  }
0x59: {  	_ =	shalt  }
0x5a: {  	_ =	shalt  }
0x5b: {  	_ =	shalt  }
0x5c: {  	_ =	shalt  }
0x5d: {  	_ =	shalt  }
0x5e: {  	_ =	shalt  }
0x5f: {  	_ =	shalt  }
0x60: {  	_ =	shalt  }
0x61: {  	_ =	shalt  }
0x62: {  	_ =	shalt  }
0x63: {  	_ =	shalt  }
0x64: {  	_ =	shalt  }
0x65: {  	_ =	shalt  }
0x66: {  	_ =	shalt  }
0x67: {  	_ =	shalt  }
0x68: {  	_ =	shalt  }
0x69: {  	_ =	shalt  }
0x6a: {  	_ =	shalt  }
0x6b: {  	_ =	shalt  }
0x6c: {  	_ =	shalt  }
0x6d: {  	_ =	shalt  }
0x6e: {  	_ =	shalt  }
0x6f: {  	_ =	shalt  }
0x70: {  	_ =	shalt  }
0x71: {  	_ =	shalt  }
0x72: {  	_ =	shalt  }
0x73: {  	_ =	shalt  }
0x74: {  	_ =	shalt  }
0x75: {  	_ =	shalt  }
0x76: {  	_ =	shalt  }
0x77: {  	_ =	shalt  }
0x78: {  	_ =	shalt  }
0x79: {  	_ =	shalt  }
0x7a: {  	_ =	shalt  }
0x7b: {  	_ =	shalt  }
0x7c: {  	_ =	shalt  }
0x7d: {  	_ =	shalt  }
0x7e: {  	_ =	shalt  }
0x7f: {  	_ =	shalt  }
0x80: {  	_ =	shalt  }
0x81: {  	_ =	shalt  }
0x82: {  	_ =	shalt  }
0x83: {  	_ =	shalt  }
0x84: {  	_ =	shalt  }
0x85: {  	_ =	shalt  }
0x86: {  	_ =	shalt  }
0x87: {  	_ =	shalt  }
.Lfunc_end0:
.L_simem_size_0:
called_computation_lowered:
.L_overlay_start_0:
0x88: {  	s2 =	sld [smem:$0x3FD9]  }
0x89: {  	s3 =	sld [smem:$0x3FFE];
	_ =	sdelay $0x1  }
0x8a: {  	s1 =	srdreg.scid  }
0x8b: {  	s0 =	sand.u32 $0x1, s1  }
0x8c: {  	s16 =	sshll.u32 s0, $0xA;
	s2 =	sadd.s32 s3, s2  }
0x8d: {  	s2 =	sadd.s32 s2, s16  }
0x8e: {  	[smem:$0x3FC7] =	sst s2  }
0x8f: {  	_ = 	snop  }
0x90: {  	(tm) =	ssettm $0x1  }
0x91: {  	s17 =	sld [smem:$0x3FFB];
	_ =	sdelay $0x3  }
0x92: {  	_ =	strace s17  }
0x93: {  	s2 =	sld [smem:$0x3FFC];
	_ =	sdelay $0x3  }
0x94: {  	_ =	strace s2  }
0x95: {  	s2 =	sld [smem:$0x3FFD];
	_ =	sdelay $0x3  }
0x96: {  	_ =	strace s2  }
0x97: {  	_ =	strace $0x8FFFFFFF  }
0x98: {  	s18 =	sld [smem:$0x3FDB];
	_ =	sdelay $0x1  }
0x99: {  	s19 =	simm.s32 $_scs_section_size  }
0x9a: {  	s4 =	simm.s32 $_size__tile_overlayer_lowered;
	s5 =	simm.s32 $_tile_overlayer_lowered  }
0x9b: {  	s22 =	simm.s32 $0x1BFF;
	s21 =	sshll.u32 s5, $0x1;
	s2 =	sadd.s32 s19, s18  }
0x9c: {  	s6 =	simm.s32 $0x0;
	s20 =	sshll.u32 s4, $0x1;
	s4 =	sadd.s32 s21, s2  }
0x9d: {  	[timem:s6], [sflag:s22] =	dma.local [hbm:s4], s20  }
0x9e: {  	_ =	swait.ge [sflag:s22], s20  }
0x9f: {  	s3 =	ssub.s32 $0x0, s20;
	[sflag:s22] =	ssyncset.done $0x0  }
0xa0: {  	[sflag:s22] =	ssyncadd.s32 s3;
	_ =	sdelay $0x1  }
0xa1: {  	s23 =	simm.s32 $0x1B8B  }
0xa2: {  	_ =	swait.ge [sflag:s23], $0x1  }
0xa3: {  	[sflag:s23] =	ssyncset.done $0x0  }
0xa4: {  	s25 =	simm.s32 $0x1B8E;
	s24 =	sld [smem:$0x3FFE];
	[sflag:s23] =	ssyncadd.s32 $0xFFFFFFFF  }
0xa5: {  	s26 =	simm.s32 $execute0_lowered;
	[smem:$0x3FD2] =	sst s25  }
0xa6: {  	s4 =	sshll.u32 s26, $0x1;
	_ =	strace $0x80000046;
	[dreg:$0x1] =	wrdreg $0xFFFFFFFF  }
0xa7: {  	s28 =	simm.s32 $_size_execute0_lowered;
	s2 =	sadd.s32 s2, s4;
	[dreg:$0x0] =	wrdreg $0x0  }
0xa8: {  	s4 =	sshll.u32 s28, $0x1;
	[dreg:$0x2] =	wrdreg s2  }
0xa9: {  	[dreg:$0x3] =	wrdreg s4  }
0xaa: {  	[dreg:$0x4] =	wrdreg $0xC0  }
0xab: {  	_ =	task [dreg:s6], $0x5FFFF  }
0xac: {  	[dreg:$0x1] =	wrdreg $0xFFFFFFFF  }
0xad: {  	[dreg:$0x0] =	wrdreg $0x60  }
0xae: {  	[dreg:$0x2] =	wrdreg s24  }
0xaf: {  	[dreg:$0x3] =	wrdreg $0x120900  }
0xb0: {  	[dreg:$0x4] =	wrdreg $0x9  }
0xb1: {  	_ =	task.clear_ibuf [dreg:s6], $0x5FFFF;
	_ =	strace $0x90000046  }
0xb2: {  	s29 =	simm.s32 $0x9;
	_ =	strace $0x80000048  }
0xb3: {  	_ =	swait.ge [sflag:s29], $0x1  }
0xb4: {  	[sflag:s29] =	ssyncadd.s32 $0xFFFFFFFF  }
0xb5: {  	_ =	strace $0x90000048  }
0xb6: {  	_ =	sfence  }
0xb7: {  	s30 =	sld [smem:$0x0];
	_ =	sdelay $0x2  }
0xb8: {  	s31 =	sshll.u32 s1, $0xD;
	s1 =	sshrl.u32 s1, $0x2  }
0xb9: {  	s3 =	sand.u32 $0x4000, s31;
	s1 =	sadd.s32 s1, s30  }
0xba: {  	s0 =	sor.u32 s3, s0;
	s1 =	sshll.u32 s1, $0x11  }
0xbb: {  	s0 =	sor.u32 s1, s0  }
0xbc: {  	s0 =	sadd.s32 $0x8F2B, s0  }
0xbd: {  	[sflag:s0] =	ssyncadd.remote.s32 $0x1  }
0xbe: {  	_ =	sfence.sel $0xFFFF  }
0xbf: {  	[dreg:$0x0] =	wrdreg $0xFFFFFFFF;
	(pc) =	sbr.abs _section_cstart, $3  }
0xc0: {  	[dreg:$0x1] =	wrdreg $0xFFFFFFFF  }
0xc1: {  	_ =	task.clear_ibuf [dreg:s6], $0x2FFFF;
	_ =	strace $0x9FFFFFFF  }
0xc2: {  	(tm) =	ssettm $0x7FFFFFFF  }
0xc3: {  	_ =	shalt  }
tec
execute0_lowered:
.L_overlay_start_1:
0x0: {  	(tag) =	ssettag $0x1  }
0x1: {  	s5 =	rddreg [dreg:$0x0];
	v0 =	vlaneseq.u32;
	v2 =	vimm.s32 $0x1000000  }
0x2: {  	s1 =	rddreg [dreg:$0x1];
	v3 =	vimm.s32 $0xEFCDAB89;
	v4 =	vimm.s32 $0x67452301;
	vm0 =	vcmask $0xF00  }
0x3: {  	s0 =	rddreg [dreg:$0x2];
	s2 =	simm.s32 $0x0;
	s4 =	srdreg.scid;
	v6 =	vimm.s32 $0xDCFE98BA;
	v9 =	vimm.s32 $0xBA98FEDC;
	v10 =	vimm.s32 $0x32107654  }
0x4: {  	s3 =	stileid.u32;
	v11 =	vimm.s32 $0xFEDCBA98;
	s14 =	simm.s32 $0x1;
	s15 =	simm.s32 $0x6000;
	v3 =	vunpack.c.l.s4.s8 v3;
	v4 =	vunpack.c.l.s4.s8 v4  }
0x5: {  	v12 =	vimm.s32 $0x76543210;
	s16 =	simm.s32 $0x6010;
	s17 =	simm.s32 $0x6090;
	s18 =	simm.s32 $0xE090;
	v1 =	vmul.u32 $0x8, v0;
	v5 =	vunpack.c.0.s8.s32 v2  }
0x6: {  	[smem:$0x7FF] =	sst s2;
	s6 =	sand.u32 $0x1, s4;
	v2 =	vand.u32 $0x7, v0;
	s19 =	sand.u32 $0x7, s3;
	v7 =	vunpack.c.0.s8.s32 v3;
	v8 =	vunpack.c.0.s8.s32 v4  }
0x7: {  	s9 =	sshrl.u32 s3, $0x3;
	v6 =	vunpack.c.l.s4.s8 v6;
	v9 =	vunpack.c.l.s4.s8 v9;
	v10 =	vunpack.c.l.s4.s8 v10;
	_ =	strace $0x80000047;
	s7 =	sshll.u32 s6, $0x1  }
0x8: {  	v11 =	vunpack.c.l.s4.s8 v11;
	s4 =	sshll.u32 s19, $0xB;
	s6 =	ssub.s32 $0x2, s6;
	p0 =	seq.s32 s19, $0x0;
	v7 =	vcombine.low v8, v7;
	v8 =	vimm.s32 $0x54761032  }
0x9: {  	v12 =	vunpack.c.l.s4.s8 v12;
	s7 =	sor.u32 s9, s7;
	v3 =	vimm.f32 $1.000000000e+10;
	s8 =	sadd.s32 s4, s5;
	s30 =	sshrl.u32 s6, $0x1;
	v8 =	vunpack.c.l.s4.s8 v8  }
0xa: {  	v4 =	vnsel vm0, $0x2, v5;
	s9 =	sshll.u32 s9, $0x7;
	v9 =	vunpack.c.0.s8.s32 v9;
	v10 =	vunpack.c.0.s8.s32 v10;
	s10 =	sshll.u32 s7, $0xB;
	s31 =	sshll.u32 s7, $0xE  }
0xb: {  	v6 =	vunpack.c.0.s8.s32 v6;
	v11 =	vunpack.c.0.s8.s32 v11;
	s13 =	ssub.s32 s6, s30;
	s11 =	sadd.s32 s9, s1;
	s12 =	sadd.s32 s10, s5;
	v8 =	vunpack.c.0.s8.s32 v8  }
0xc: {  	v5 =	vmul.u32 $0x10, v2;
	v12 =	vunpack.c.0.s8.s32 v12;
	s7 =	sadd.s32 s31, s8;
	s5 =	simm.f32 $1.000000000e+00;
	s8 =	sshll.u32 s3, $0x4;
	v10 =	vcombine.low v10, v9  }
0xd: {  	vm0 =	vmmov $0x1;
	s13 =	smax.u32 s13, $0x1;
	v11 =	vand.u32 $0xF, v11;
	s6 =	sadd.s32 $0x400, s7;
	s5 =	simm.s32 @!p0 $0x0;
	v13 =	vcombine.low v8, v6  }
0xe: {  	s7 =	simm.f32 $0.0e+00;
	s10 =	sadd.s32 s8, s1;
	s12 =	sadd.s32 $0x10400, s12;
	v11 =	vcombine.low v11, v12;
	v7 =	vand.u32 $0xF, v7;
	v10 =	vand.u32 $0xF, v10  }
0xf: {  	s7 =	simm.s32 @!p0 $0x7F61B1E6;
	p0 =	sne.s32 s19, $0x0;
	s19 =	simm.s32 $0x0;
	v6 =	vor.u32 $0x1, v5;
	v8 =	vperm.xlane v2, v7;
	v9 =	vand.u32 $0xF, v13  }
.LBB2_1:
0x10: {  	v12 =	vmov s2  }
0x11: {  	v12 =	vshll.u32 v12, $0x3  }
0x12: {  	v12 =	vor.u32 v1, v12  }
0x13: {  	[tilespmem:s2], [sflag:$0x1] =	stream.linear.gather [hbm4b:s6+s2], $0x4000, $0x38;
	[tilespmem:$0x120B0] =	vst v63  }
0x14: {  	_ =	swait.ge [sflag:s14], $0x4000  }
0x15: {  	[sflag:s14] =	ssyncset.done $0x0  }
0x16: {  	[sflag:s14] =	ssyncadd.s32 $0xFFFFC000  }
0x17: {  	v13 =	vld.idx.msk [tilespmem:v12+s2+$0x0], $0xffff  }
0x18: {  	v14 =	vor.u32 $0x1, v12;
	_ =	sdelay $0x2  }
0x19: {  	s20 =	simm.s32 $0x4000  }
0x1a: {  	[tilespmem:s20+$0x0] =	vst v13  }
0x1b: {  	v13 =	vld.idx.msk [tilespmem:v14+s2+$0x0], $0xffff  }
0x1c: {  	v12 =	vor.u32 $0x2, v12;
	_ =	sdelay $0x2  }
0x1d: {  	s31 =	simm.s32 $0x4800  }
0x1e: {  	s21 =	simm.s32 $0x10;
	[tilespmem:s31+$0x0] =	vst v13  }
0x1f: {  	v13 =	vmov s21;
	v12 =	vld.idx.msk [tilespmem:v12+s2+$0x0], $0xffff  }
0x20: {  	v13 =	vshll.u32 v13, $0x3  }
0x21: {  	v13 =	vor.u32 v1, v13;
	_ =	sdelay $0x1  }
0x22: {  	s21 =	simm.s32 $0x5000  }
0x23: {  	s20 =	simm.s32 $0x5800;
	[tilespmem:s21+$0x0] =	vst v12  }
0x24: {  	[tilespmem:s20+$0x0] =	vst v3  }
0x25: {  	v12 =	vld.idx.msk [tilespmem:v13+s2+$0x0], $0xffff  }
0x26: {  	v14 =	vor.u32 $0x1, v13;
	_ =	sdelay $0x2  }
0x27: {  	s22 =	simm.s32 $0x4010  }
0x28: {  	[tilespmem:s22+$0x0] =	vst v12  }
0x29: {  	v12 =	vld.idx.msk [tilespmem:v14+s2+$0x0], $0xffff  }
0x2a: {  	v13 =	vor.u32 $0x2, v13;
	_ =	sdelay $0x2  }
0x2b: {  	s23 =	simm.s32 $0x4810  }
0x2c: {  	s24 =	simm.s32 $0x20;
	[tilespmem:s23+$0x0] =	vst v12  }
0x2d: {  	v14 =	vmov s24;
	v12 =	vld.idx.msk [tilespmem:v13+s2+$0x0], $0xffff  }
0x2e: {  	s24 =	simm.s32 $0x30;
	v13 =	vshll.u32 v14, $0x3  }
.LBB2_2:
0x2f: {  	p1 =	sne.s32 s24, $0x7F0;
	v13 =	vor.u32 v1, v13;
	_ =	sdelay $0x1  }
0x30: {  	s21 =	sadd.s32 $0x10, s21  }
0x31: {  	s20 =	sadd.s32 $0x10, s20;
	[tilespmem:s21+$0x0] =	vst v12  }
0x32: {  	[tilespmem:s20+$0x0] =	vst v3  }
0x33: {  	v12 =	vld.idx.msk [tilespmem:v13+s2+$0x0], $0xffff;
	_ =	sdelay $0x1  }
0x34: {  	v14 =	vor.u32 $0x1, v13;
	_ =	sdelay $0x2  }
0x35: {  	s22 =	sadd.s32 $0x10, s22  }
0x36: {  	[tilespmem:s22+$0x0] =	vst v12  }
0x37: {  	v12 =	vld.idx.msk [tilespmem:v14+s2+$0x0], $0xffff;
	_ =	sdelay $0x1  }
0x38: {  	v13 =	vor.u32 $0x2, v13;
	_ =	sdelay $0x2  }
.Ltmp0:
0x39: {  	s23 =	sadd.s32 $0x10, s23;
	(pc) =	sbr.rel @p1 .LBB2_2-.Ltmp0, $4  }
0x3a: {  	[tilespmem:s23+$0x0] =	vst v12  }
0x3b: {  	v12 =	vld.idx.msk [tilespmem:v13+s2+$0x0], $0xffff  }
0x3c: {  	v13 =	vmov s24  }
0x3d: {  	s24 =	sadd.s32 $0x10, s24;
	v13 =	vshll.u32 v13, $0x3  }
0x3e: {  	v13 =	vor.u32 v1, v13;
	_ =	sdelay $0x1  }
0x3f: {  	s21 =	sadd.s32 $0x10, s21  }
0x40: {  	s20 =	sadd.s32 $0x10, s20;
	[tilespmem:s21+$0x0] =	vst v12  }
0x41: {  	[tilespmem:s20+$0x0] =	vst v3  }
0x42: {  	v12 =	vld.idx.msk [tilespmem:v13+s2+$0x0], $0xffff  }
0x43: {  	v14 =	vor.u32 $0x1, v13;
	_ =	sdelay $0x2  }
0x44: {  	s22 =	sadd.s32 $0x10, s22  }
0x45: {  	[tilespmem:s22+$0x0] =	vst v12  }
0x46: {  	v12 =	vld.idx.msk [tilespmem:v14+s2+$0x0], $0xffff  }
0x47: {  	v13 =	vor.u32 $0x2, v13;
	_ =	sdelay $0x2  }
0x48: {  	s31 =	sadd.s32 $0x10, s23  }
0x49: {  	[tilespmem:s31+$0x0] =	vst v12  }
0x4a: {  	v12 =	vld.idx.msk [tilespmem:v13+s2+$0x0], $0xffff;
	_ =	sdelay $0x3  }
0x4b: {  	s21 =	sadd.s32 $0x10, s21  }
0x4c: {  	s20 =	sadd.s32 $0x10, s20;
	[tilespmem:s21+$0x0] =	vst v12  }
0x4d: {  	[tilespmem:s20+$0x0] =	vst v3  }
0x4e: {  	v12 =	vld.idx.msk [tilespmem:v4+s2+$0x0], $0xffff;
	_ =	sdelay $0x3  }
0x4f: {  	vm1 =	veq.s32 v0, $0x0  }
0x50: {  	v12 =	vsel vm1, s5, v12;
	vm1 =	veq.s32 v0, $0x1  }
0x51: {  	v12 =	vsel vm1, s7, v12  }
0x52: {  	s20 =	simm.s32 $0x1;
	[tilespmem:$0x6000] =	vst v12  }
0x53: {  	[spmem:s10] =	stream.linear.scatter [tilespmem:s15], [sflag:$0x1], $0x10, $0x38;
	[tilespmem:$0x120B0] =	vst v63  }
0x54: {  	_ =	swait.ge [sflag:s20], $0x10  }
0x55: {  	[sflag:s20] =	ssyncset.done $0x0  }
0x56: {  	[sflag:s20] =	ssyncadd.s32 $0xFFFFFFF0  }
0x57: {  	[bflag:$0x0] =	sbarrier.arrive $0xFFFF  }
0x58: {  	[tilespmem:s16], [sflag:$0x1] =	stream.linear.gather [spmem:s11], $0x80, $0x38;
	[tilespmem:$0x120B0] =	vst v63  }
0x59: {  	_ =	swait.ge [sflag:s20], $0x80  }
0x5a: {  	[sflag:s20] =	ssyncset.done $0x0  }
0x5b: {  	[sflag:s20] =	ssyncadd.s32 $0xFFFFFF80  }
0x5c: {  	v57 =	vld.idx.msk [tilespmem:v5+s16+$0x0], $0xffff  }
0x5d: {  	v58 =	vld.idx.msk [tilespmem:v6+s16+$0x0], $0xffff;
	_ =	sdelay $0x4  }
0x5e: {  	v59 =	vperm.xlane v57, v7;
	v15 =	vperm.xlane v58, v7;
	_ =	sdelay $0x1  }
0x5f: {  	vm1 =	veq.f32 v59, v57;
	vm2 =	vlt.f32 v15, v58  }
0x60: {  	vm3 =	vgt.f32 v59, v57;
	vm1 =	vmand vm1, vm2  }
0x61: {  	vm1 =	vmor vm3, vm1  }
0x62: {  	v12 =	vsel vm1, v59, v57;
	v13 =	vsel vm1, v15, v58  }
0x63: {  	v14 =	vperm.xlane v12, v9;
	v15 =	vperm.xlane v13, v9;
	_ =	sdelay $0x1  }
0x64: {  	vm2 =	veq.f32 v14, v12;
	vm3 =	vlt.f32 v15, v13  }
0x65: {  	vm2 =	vmand vm2, vm3;
	vm3 =	vgt.f32 v14, v12  }
0x66: {  	vm2 =	vmor vm3, vm2  }
0x67: {  	v12 =	vsel vm2, v14, v12;
	v13 =	vsel vm2, v15, v13  }
0x68: {  	v14 =	vperm.xlane v12, v10;
	v15 =	vperm.xlane v13, v10  }
0x69: {  	v16 =	vsel vm1, v8, v2  }
0x6a: {  	v17 =	vperm.xlane v16, v9;
	vm1 =	veq.f32 v14, v12;
	vm3 =	vlt.f32 v15, v13  }
0x6b: {  	vm1 =	vmand vm1, vm3;
	vm3 =	vgt.f32 v14, v12  }
0x6c: {  	v16 =	vsel vm2, v17, v16;
	vm1 =	vmor vm3, vm1  }
0x6d: {  	v60 =	vperm.xlane v16, v10;
	v12 =	vsel vm1, v14, v12;
	v13 =	vsel vm1, v15, v13  }
0x6e: {  	v61 =	vperm.xlane v12, v11;
	v62 =	vperm.xlane v13, v11;
	_ =	sdelay $0x1  }
0x6f: {  	v14 =	vsel vm1, v60, v16;
	vm1 =	veq.f32 v61, v12;
	vm2 =	vlt.f32 v62, v13  }
0x70: {  	v63 =	vperm.xlane v14, v11;
	vm3 =	vgt.f32 v61, v12;
	vm1 =	vmand vm1, vm2  }
0x71: {  	vm1 =	vmor vm3, vm1  }
0x72: {  	v12 =	vsel vm1, v63, v14  }
0x73: {  	v12 =	vshll.u32 v12, $0x4  }
0x74: {  	v12 =	vor.u32 v0, v12;
	_ =	sdelay $0x4  }
0x75: {  	v12 =	vld.idx.msk [tilespmem:v12+s16+$0x0], $0xffff;
	_ =	sdelay $0x4  }
0x76: {  	(v2sf) =	vpush v12, $0x2  }
0x77: {  	(v2sf) =	vpush v12, $0x3  }
0x78: {  	(v2sf) =	vpush v12, $0x4;
	_ =	sdelay $0xc  }
0x79: {  	s25 =	spop (v2sf)  }
0x7a: {  	s23 =	spop (v2sf)  }
0x7b: {  	[tilespmem:$0x6090] =	vst v12;
	s26 =	spop (v2sf)  }
.LBB2_4:
0x7c: {  	s21 =	simm.s32 $0x5020  }
0x7d: {  	s22 =	simm.s32 $0x4020;
	v15 =	vld [tilespmem:s21+$0x10]  }
0x7e: {  	s24 =	simm.s32 $0x4820;
	v16 =	vld [tilespmem:s22+$0x10]  }
0x7f: {  	v17 =	vld [tilespmem:s24+$0x10]  }
0x80: {  	v18 =	vld [tilespmem:s21+$0x0]  }
0x81: {  	v19 =	vld [tilespmem:s22+$0xFFFFFFE0]  }
0x82: {  	v20 =	vld [tilespmem:s24+$0xFFFFFFE0]  }
0x83: {  	v21 =	vld [tilespmem:s22+$0x0]  }
0x84: {  	v22 =	vld [tilespmem:s21+$0xFFFFFFE0]  }
0x85: {  	v12 =	vmov s25;
	v13 =	vmov s26;
	v23 =	vld [tilespmem:s22+$0xFFFFFFF0]  }
0x86: {  	v14 =	vmov s23;
	v24 =	vimm.f32 $-1.000000000e+00;
	v25 =	vld [tilespmem:s24+$0xFFFFFFF0];
	v15 =	vsub.f32 v15, v13  }
0x87: {  	v27 =	vimm.s32 $0x0;
	s23 =	simm.s32 $0x0;
	v26 =	vld [tilespmem:s21+$0xFFFFFFF0];
	v19 =	vsub.f32 v19, v12;
	v20 =	vsub.f32 v20, v14  }
0x88: {  	v28 =	vor.u32 s23, v0;
	v29 =	vsub.f32 v16, v12;
	v17 =	vsub.f32 v17, v14  }
0x89: {  	s21 =	simm.s32 $0x5820;
	v30 =	vld [tilespmem:s24+$0x0];
	v22 =	vsub.f32 v22, v13;
	v19 =	vmul.f32 v19, v19;
	v20 =	vmul.f32 v20, v20  }
0x8a: {  	v31 =	vld [tilespmem:s21+$0xFFFFFFE0];
	vm2 =	vlt.s32 v28, v27;
	v23 =	vsub.f32 v23, v12;
	v18 =	vsub.f32 v18, v13  }
0x8b: {  	s30 =	simm.s32 $0x20;
	v25 =	vsub.f32 v25, v14;
	v22 =	vmul.f32 v22, v22;
	v20 =	vadd.f32 v20, v19  }
0x8c: {  	v16 =	vor.u32 s30, v0;
	v26 =	vsub.f32 v26, v13;
	v21 =	vsub.f32 v21, v12  }
0x8d: {  	v20 =	vadd.f32 v22, v20;
	v22 =	vmul.f32 v23, v23;
	v23 =	vmul.f32 v25, v25  }
0x8e: {  	v32 =	vld [tilespmem:s21+$0xFFFFFFF0];
	v62 =	vmul.f32 v21, v21;
	v21 =	vmul.f32 v29, v29;
	v25 =	vsub.f32 v30, v14  }
0x8f: {  	s31 =	simm.s32 $0x10;
	v20 =	vmin.f32 v31, v20;
	v22 =	vadd.f32 v23, v22;
	v23 =	vmul.f32 v26, v26  }
0x90: {  	v19 =	vor.u32 s31, v0;
	v25 =	vmul.f32 v25, v25;
	vm1 =	veq.f32 v20, v24  }
0x91: {  	vm3 =	vgt.f32 v20, v24;
	vm1 =	vmand vm2, vm1;
	v63 =	vadd.f32 v23, v22  }
0x92: {  	v26 =	vmul.f32 v18, v18;
	v25 =	vadd.f32 v25, v62;
	v22 =	vld [tilespmem:s21+$0x0];
	vm1 =	vmor vm3, vm1  }
0x93: {  	s25 =	simm.s32 $0x0;
	s26 =	simm.s32 $0x5060;
	[tilespmem:s21+$0xFFFFFFE0] =	vst v20;
	v23 =	vsel vm1, v20, v24;
	v24 =	vsel vm1, v28, v27;
	v18 =	vmin.f32 v32, v63;
	v20 =	vld [tilespmem:s21+$0x10]  }
.LBB2_5:
0x94: {  	v27 =	vld [tilespmem:s26+$0x10];
	[tilespmem:s21+$0xFFFFFFF0] =	vst v18;
	vm1 =	veq.f32 v18, v23;
	vm2 =	vlt.s32 v19, v24;
	v17 =	vmul.f32 v17, v17;
	s22 =	sadd.s32 $0x40, s22  }
0x95: {  	vm3 =	vgt.f32 v18, v23;
	v25 =	vadd.f32 v26, v25;
	s24 =	sadd.s32 $0x40, s24;
	v28 =	vld [tilespmem:s22+$0x10];
	vm1 =	vmand vm2, vm1  }
0x96: {  	v15 =	vmul.f32 v15, v15;
	v26 =	vld [tilespmem:s24+$0x10];
	vm1 =	vmor vm3, vm1;
	v17 =	vadd.f32 v17, v21  }
0x97: {  	v21 =	vld [tilespmem:s26+$0x0];
	v18 =	vsel vm1, v18, v23;
	v19 =	vsel vm1, v19, v24;
	v22 =	vmin.f32 v22, v25  }
0x98: {  	v23 =	vld [tilespmem:s22+$0xFFFFFFE0];
	[tilespmem:s21+$0x0] =	vst v22;
	vm1 =	veq.f32 v22, v18;
	vm2 =	vlt.s32 v16, v19  }
0x99: {  	s25 =	sadd.s32 $0x4, s25;
	s28 =	sadd.s32 $0x30, s23;
	s23 =	sadd.s32 $0x40, s23;
	vm3 =	vgt.f32 v22, v18;
	v15 =	vadd.f32 v15, v17;
	v24 =	vld [tilespmem:s24+$0xFFFFFFE0];
	vm1 =	vmand vm2, vm1  }
0x9a: {  	v29 =	vor.u32 s23, v0;
	p1 =	slt.u32 s25, $0x7C;
	v30 =	vor.u32 s28, v0;
	v25 =	vld [tilespmem:s22+$0x0];
	vm1 =	vmor vm3, vm1  }
0x9b: {  	v31 =	vld [tilespmem:s26+$0xFFFFFFE0];
	v18 =	vsel vm1, v22, v18;
	v16 =	vsel vm1, v16, v19;
	v19 =	vmin.f32 v20, v15  }
0x9c: {  	v15 =	vsub.f32 v27, v13;
	v20 =	vld [tilespmem:s22+$0xFFFFFFF0];
	[tilespmem:s21+$0x10] =	vst v19;
	vm1 =	veq.f32 v19, v18;
	vm2 =	vlt.s32 v30, v16  }
0x9d: {  	v27 =	vsub.f32 v28, v12;
	vm3 =	vgt.f32 v19, v18;
	v22 =	vld [tilespmem:s24+$0xFFFFFFF0];
	vm1 =	vmand vm2, vm1  }
0x9e: {  	v23 =	vsub.f32 v23, v12;
	v24 =	vsub.f32 v24, v14;
	v28 =	vld [tilespmem:s26+$0xFFFFFFF0];
	vm1 =	vmor vm3, vm1  }
0x9f: {  	v17 =	vsub.f32 v26, v14;
	v18 =	vsel vm1, v19, v18;
	v30 =	vsel vm1, v30, v16  }
0xa0: {  	s28 =	sadd.s32 $0x20, s23;
	s21 =	sadd.s32 $0x40, s21;
	v23 =	vmul.f32 v23, v23;
	v19 =	vsub.f32 v31, v13;
	v24 =	vmul.f32 v24, v24;
	v26 =	vld [tilespmem:s24+$0x0]  }
0xa1: {  	v32 =	vsub.f32 v21, v13;
	v16 =	vor.u32 s28, v0;
	v31 =	vld [tilespmem:s21+$0xFFFFFFE0];
	v20 =	vsub.f32 v20, v12  }
0xa2: {  	s28 =	sadd.s32 $0x10, s23;
	v21 =	vadd.f32 v24, v23;
	v23 =	vmul.f32 v19, v19;
	v22 =	vsub.f32 v22, v14  }
0xa3: {  	v25 =	vsub.f32 v25, v12;
	v19 =	vor.u32 s28, v0;
	v24 =	vsub.f32 v28, v13  }
0xa4: {  	v20 =	vmul.f32 v20, v20;
	v23 =	vadd.f32 v23, v21;
	v22 =	vmul.f32 v22, v22  }
0xa5: {  	v25 =	vmul.f32 v25, v25;
	v21 =	vmul.f32 v27, v27;
	v28 =	vld [tilespmem:s21+$0xFFFFFFF0];
	v26 =	vsub.f32 v26, v14  }
.Ltmp1:
0xa6: {  	v23 =	vmin.f32 v31, v23;
	v20 =	vadd.f32 v22, v20;
	v22 =	vmul.f32 v24, v24;
	(pc) =	sbr.rel @p1 .LBB2_5-.Ltmp1, $4  }
0xa7: {  	vm2 =	vlt.s32 v29, v30;
	[tilespmem:s21+$0xFFFFFFE0] =	vst v23;
	vm1 =	veq.f32 v23, v18;
	v24 =	vmul.f32 v26, v26  }
0xa8: {  	vm3 =	vgt.f32 v23, v18;
	vm1 =	vmand vm2, vm1;
	v20 =	vadd.f32 v22, v20  }
0xa9: {  	v26 =	vmul.f32 v32, v32;
	vm1 =	vmor vm3, vm1;
	v25 =	vadd.f32 v24, v25;
	v22 =	vld [tilespmem:s21+$0x0]  }
0xaa: {  	s26 =	sadd.s32 $0x40, s26;
	v23 =	vsel vm1, v23, v18;
	v24 =	vsel vm1, v29, v30;
	v18 =	vmin.f32 v28, v20;
	v20 =	vld [tilespmem:s21+$0x10]  }
0xab: {  	vm1 =	veq.f32 v18, v23;
	vm2 =	vlt.s32 v19, v24;
	v12 =	vmul.f32 v17, v17  }
0xac: {  	vm3 =	vgt.f32 v18, v23;
	v13 =	vadd.f32 v26, v25;
	vm1 =	vmand vm2, vm1  }
0xad: {  	v14 =	vmul.f32 v15, v15;
	vm1 =	vmor vm3, vm1;
	v12 =	vadd.f32 v12, v21  }
0xae: {  	v47 =	vsel vm1, v18, v23;
	v48 =	vsel vm1, v19, v24;
	v13 =	vmin.f32 v22, v13  }
0xaf: {  	vm1 =	veq.f32 v13, v47;
	vm2 =	vlt.s32 v16, v48  }
0xb0: {  	s22 =	sadd.s32 $0x30, s23;
	vm3 =	vgt.f32 v13, v47;
	v12 =	vadd.f32 v14, v12;
	vm1 =	vmand vm2, vm1  }
0xb1: {  	v49 =	vor.u32 s22, v0;
	vm1 =	vmor vm3, vm1  }
0xb2: {  	v12 =	vmin.f32 v20, v12;
	v15 =	vsel vm1, v13, v47;
	v50 =	vsel vm1, v16, v48  }
0xb3: {  	vm1 =	veq.f32 v12, v15;
	vm2 =	vlt.s32 v49, v50  }
0xb4: {  	vm3 =	vgt.f32 v12, v15;
	vm1 =	vmand vm2, vm1  }
0xb5: {  	vm1 =	vmor vm3, vm1  }
0xb6: {  	v15 =	vsel vm1, v12, v15;
	v14 =	vsel vm1, v49, v50  }
0xb7: {  	v51 =	vperm.xlane v15, v7;
	v52 =	vperm.xlane v14, v7;
	_ =	sdelay $0x1  }
0xb8: {  	vm1 =	veq.f32 v51, v15;
	vm2 =	vlt.s32 v52, v14  }
0xb9: {  	vm3 =	vgt.f32 v51, v15;
	vm1 =	vmand vm1, vm2  }
0xba: {  	vm1 =	vmor vm3, vm1  }
0xbb: {  	v15 =	vsel vm1, v51, v15;
	v14 =	vsel vm1, v52, v14  }
0xbc: {  	v16 =	vperm.xlane v15, v9;
	v17 =	vperm.xlane v14, v9;
	_ =	sdelay $0x1  }
0xbd: {  	vm1 =	veq.f32 v16, v15;
	vm2 =	vlt.s32 v17, v14  }
0xbe: {  	vm3 =	vgt.f32 v16, v15;
	vm1 =	vmand vm1, vm2  }
0xbf: {  	vm1 =	vmor vm3, vm1  }
0xc0: {  	v15 =	vsel vm1, v16, v15;
	v14 =	vsel vm1, v17, v14  }
0xc1: {  	v16 =	vperm.xlane v15, v10;
	v17 =	vperm.xlane v14, v10;
	_ =	sdelay $0x1  }
0xc2: {  	vm1 =	veq.f32 v16, v15;
	vm2 =	vlt.s32 v17, v14  }
0xc3: {  	vm3 =	vgt.f32 v16, v15;
	vm1 =	vmand vm1, vm2  }
0xc4: {  	vm1 =	vmor vm3, vm1  }
0xc5: {  	v15 =	vsel vm1, v16, v15;
	v14 =	vsel vm1, v17, v14  }
0xc6: {  	v16 =	vperm.xlane v15, v11;
	v17 =	vperm.xlane v14, v11;
	_ =	sdelay $0x1  }
0xc7: {  	vm1 =	veq.f32 v16, v15;
	vm2 =	vlt.s32 v17, v14  }
0xc8: {  	vm3 =	vgt.f32 v16, v15;
	vm1 =	vmand vm1, vm2  }
0xc9: {  	vm1 =	vmor vm3, vm1  }
0xca: {  	v14 =	vsel vm1, v17, v14  }
0xcb: {  	(v2sf) =	vpush v14, $0x0;
	_ =	sdelay $0x5  }
0xcc: {  	v14 =	vshll.u32 v14, $0x3  }
0xcd: {  	v14 =	vbroadcast v14, $0x0;
	_ =	sdelay $0x1  }
0xce: {  	v14 =	vor.u32 v4, v14;
	_ =	sdelay $0x1  }
0xcf: {  	[tilespmem:s21+$0xFFFFFFF0] =	vst v18  }
0xd0: {  	[tilespmem:s21+$0x0] =	vst v13  }
0xd1: {  	[tilespmem:s21+$0x10] =	vst v12;
	s21 =	simm.s32 $0x0  }
0xd2: {  	v12 =	vld.idx.msk [tilespmem:v14+s21+$0x0], $0xffff  }
0xd3: {  	s26 =	spop (v2sf)  }
0xd4: {  	s22 =	sadd.s32 s4, s26  }
0xd5: {  	s22 =	scvt.s32.f32 s22  }
0xd6: {  	s28 =	sshll.u32 s20, $0x8;
	vm2 =	veq.s32 v0, $0x1  }
0xd7: {  	s29 =	sand.u32 $0x100, s28;
	v53 =	vsel vm1, v16, v15;
	v12 =	vsel vm2, s22, v12  }
0xd8: {  	s22 =	sadd.s32 s29, s1;
	v12 =	vsel vm0, v53, v12  }
0xd9: {  	s30 =	sadd.s32 s8, s22;
	[tilespmem:$0x6000] =	vst v12  }
0xda: {  	[spmem:s30] =	stream.linear.scatter [tilespmem:s15], [sflag:$0x1], $0x10, $0x38;
	[tilespmem:$0x120B0] =	vst v63  }
0xdb: {  	_ =	swait.ge [sflag:s14], $0x10  }
0xdc: {  	[sflag:s14] =	ssyncset.done $0x0  }
0xdd: {  	[sflag:s14] =	ssyncadd.s32 $0xFFFFFFF0  }
0xde: {  	s22 =	sadd.s32 s9, s22;
	[bflag:$0x0] =	sbarrier.arrive $0xFFFF  }
0xdf: {  	[tilespmem:s16], [sflag:$0x1] =	stream.linear.gather [spmem:s22], $0x80, $0x38;
	[tilespmem:$0x120B0] =	vst v63  }
0xe0: {  	_ =	swait.ge [sflag:s14], $0x80  }
0xe1: {  	[sflag:s14] =	ssyncset.done $0x0  }
0xe2: {  	[sflag:s14] =	ssyncadd.s32 $0xFFFFFF80  }
0xe3: {  	v54 =	vld.idx.msk [tilespmem:v5+s16+$0x0], $0xffff  }
0xe4: {  	v55 =	vld.idx.msk [tilespmem:v6+s16+$0x0], $0xffff;
	_ =	sdelay $0x4  }
0xe5: {  	v56 =	vperm.xlane v54, v7;
	v57 =	vperm.xlane v55, v7;
	_ =	sdelay $0x1  }
0xe6: {  	vm1 =	veq.f32 v56, v54;
	vm2 =	vlt.f32 v57, v55  }
0xe7: {  	vm3 =	vgt.f32 v56, v54;
	vm1 =	vmand vm1, vm2  }
0xe8: {  	vm1 =	vmor vm3, vm1  }
0xe9: {  	v12 =	vsel vm1, v56, v54;
	v13 =	vsel vm1, v57, v55  }
0xea: {  	v14 =	vperm.xlane v12, v9;
	v15 =	vperm.xlane v13, v9;
	_ =	sdelay $0x1  }
0xeb: {  	vm2 =	veq.f32 v14, v12;
	vm3 =	vlt.f32 v15, v13  }
0xec: {  	vm2 =	vmand vm2, vm3;
	vm3 =	vgt.f32 v14, v12  }
0xed: {  	vm2 =	vmor vm3, vm2  }
0xee: {  	v12 =	vsel vm2, v14, v12;
	v13 =	vsel vm2, v15, v13  }
0xef: {  	v14 =	vperm.xlane v12, v10;
	v15 =	vperm.xlane v13, v10  }
0xf0: {  	v58 =	vsel vm1, v8, v2  }
0xf1: {  	v59 =	vperm.xlane v58, v9;
	vm1 =	veq.f32 v14, v12;
	vm3 =	vlt.f32 v15, v13  }
0xf2: {  	vm1 =	vmand vm1, vm3;
	vm3 =	vgt.f32 v14, v12  }
0xf3: {  	v16 =	vsel vm2, v59, v58;
	vm1 =	vmor vm3, vm1  }
0xf4: {  	v60 =	vperm.xlane v16, v10;
	v12 =	vsel vm1, v14, v12;
	v13 =	vsel vm1, v15, v13  }
0xf5: {  	v61 =	vperm.xlane v12, v11;
	v62 =	vperm.xlane v13, v11;
	_ =	sdelay $0x1  }
0xf6: {  	v14 =	vsel vm1, v60, v16;
	vm1 =	veq.f32 v61, v12;
	vm2 =	vlt.f32 v62, v13  }
0xf7: {  	v63 =	vperm.xlane v14, v11;
	vm3 =	vgt.f32 v61, v12;
	vm1 =	vmand vm1, vm2  }
0xf8: {  	vm1 =	vmor vm3, vm1  }
0xf9: {  	v12 =	vsel vm1, v63, v14  }
0xfa: {  	v12 =	vshll.u32 v12, $0x4  }
0xfb: {  	v12 =	vor.u32 v0, v12;
	_ =	sdelay $0x4  }
0xfc: {  	v12 =	vld.idx.msk [tilespmem:v12+s16+$0x0], $0xffff;
	_ =	sdelay $0x4  }
0xfd: {  	(v2sf) =	vpush v12, $0x2  }
0xfe: {  	(v2sf) =	vpush v12, $0x3  }
0xff: {  	(v2sf) =	vpush v12, $0x4;
	_ =	sdelay $0x8  }
0x100: {  	s31 =	sshll.u32 s20, $0x4;
	s20 =	sadd.s32 $0x1, s20  }
0x101: {  	p1 =	sne.s32 s20, $0x800  }
.Ltmp2:
0x102: {  	_ = 	snop;
	(pc) =	sbr.rel @p1 .LBB2_4-.Ltmp2, $4  }
0x103: {  	_ = 	snop  }
0x104: {  	s25 =	spop (v2sf)  }
0x105: {  	s22 =	sand.u32 $0x3FFFFFF0, s31;
	s23 =	spop (v2sf)  }
0x106: {  	[tilespmem:s22+$0x6090] =	vst v12;
	s26 =	spop (v2sf)  }
0x107: {  	v12 =	vor.u32 s21, v0  }
0x108: {  	v13 =	vshll.u32 v12, $0x4  }
0x109: {  	v14 =	vor.u32 $0x2, v13;
	_ =	sdelay $0x2  }
0x10a: {  	v15 =	vor.u32 $0x3, v13  }
0x10b: {  	v13 =	vor.u32 $0x4, v13  }
0x10c: {  	v17 =	vshll.u32 v12, $0x3;
	v14 =	vld.idx.msk [tilespmem:v14+s17+$0x0], $0xffff;
	_ =	sdelay $0x1  }
0x10d: {  	s20 =	simm.s32 $0x10  }
0x10e: {  	v12 =	vor.u32 s20, v0;
	v19 =	vor.u32 $0x1, v17;
	v18 =	vld.idx.msk [tilespmem:v15+s17+$0x0], $0xffff  }
0x10f: {  	v20 =	vshll.u32 v12, $0x4;
	v16 =	vor.u32 $0x2, v17;
	v13 =	vld.idx.msk [tilespmem:v13+s17+$0x0], $0xffff  }
0x110: {  	[tilespmem:v17+s18+$0x0] =	vst.idx.msk $0xffff, v14;
	v17 =	vor.u32 $0x2, v20  }
0x111: {  	v15 =	vor.u32 $0x3, v20  }
0x112: {  	v14 =	vor.u32 $0x4, v20  }
0x113: {  	s20 =	simm.s32 $0x20;
	[tilespmem:v19+s18+$0x0] =	vst.idx.msk $0xffff, v18  }
.LBB2_8:
0x114: {  	p1 =	sne.s32 s20, $0x7F0;
	[tilespmem:v16+s18+$0x0] =	vst.idx.msk $0xffff, v13;
	s21 =	smov.u32 s20;
	s20 =	sadd.s32 $0x10, s20  }
0x115: {  	v18 =	vld.idx.msk [tilespmem:v17+s17+$0x0], $0xffff  }
0x116: {  	v20 =	vshll.u32 v12, $0x3;
	v19 =	vld.idx.msk [tilespmem:v15+s17+$0x0], $0xffff  }
0x117: {  	v12 =	vor.u32 s21, v0;
	v21 =	vor.u32 $0x1, v20;
	v13 =	vld.idx.msk [tilespmem:v14+s17+$0x0], $0xffff  }
.Ltmp3:
0x118: {  	v16 =	vor.u32 $0x2, v20;
	v14 =	vshll.u32 v12, $0x4;
	(pc) =	sbr.rel @p1 .LBB2_8-.Ltmp3, $3  }
0x119: {  	v17 =	vor.u32 $0x2, v14;
	v15 =	vor.u32 $0x3, v14;
	v14 =	vor.u32 $0x4, v14;
	_ =	sdelay $0x1  }
0x11a: {  	[tilespmem:v20+s18+$0x0] =	vst.idx.msk $0xffff, v18  }
0x11b: {  	[tilespmem:v21+s18+$0x0] =	vst.idx.msk $0xffff, v19  }
0x11c: {  	_ =	sdelay $0x3  }
0x11d: {  	[tilespmem:v16+s18+$0x0] =	vst.idx.msk $0xffff, v13  }
0x11e: {  	v12 =	vshll.u32 v12, $0x3;
	v13 =	vld.idx.msk [tilespmem:v17+s17+$0x0], $0xffff  }
0x11f: {  	v15 =	vld.idx.msk [tilespmem:v15+s17+$0x0], $0xffff;
	v62 =	vor.u32 $0x1, v12  }
0x120: {  	v14 =	vld.idx.msk [tilespmem:v14+s17+$0x0], $0xffff;
	v63 =	vor.u32 $0x2, v12;
	_ =	sdelay $0x2  }
0x121: {  	[tilespmem:v12+s18+$0x0] =	vst.idx.msk $0xffff, v13  }
0x122: {  	s19 =	sadd.s32 $0x1, s19;
	[tilespmem:v62+s18+$0x0] =	vst.idx.msk $0xffff, v15  }
0x123: {  	s20 =	simm.s32 @!p0 $0x0;
	s21 =	simm.s32 @!p0 $0xE090;
	p1 =	sne.s32 s19, s13;
	[tilespmem:v63+s18+$0x0] =	vst.idx.msk $0xffff, v14  }
0x124: {  	[hbm4b:s12+s20] =	stream.linear.scatter @!p0 [tilespmem:s21], [sflag:$0x1], $0x4000, $0x38;
	[tilespmem:$0x120B0] =	vst v63  }
.Ltmp4:
0x125: {  	_ = 	snop;
	(pc) =	sbr.rel @p1 .LBB2_1-.Ltmp4, $4  }
0x126: {  	s20 =	simm.s32 @!p0 $0x1  }
0x127: {  	_ =	swait.ge @!p0 [sflag:s20], $0x4000  }
0x128: {  	[sflag:s20] =	ssyncset.done @!p0 $0x0  }
0x129: {  	[sflag:s20] =	ssyncadd.s32 @!p0 $0xFFFFC000  }
0x12a: {  	_ =	sfence.sel $0x180000  }
0x12b: {  	[bflag:$0x0] =	sbarrier.arrive $0xFFFF  }
0x12c: {  	p0 =	sne.s32 s3, $0x0;
	_ =	strace $0x90000047  }
0x12d: {  	s0 =	sadd.s32 @!p0 $0x100000, s0;
	[bflag:$0x2] =	sbarrier.arrive $0xFFFF  }
0x12e: {  	[sflag:s0] =	ssyncadd.tile.s32 @!p0 $0x1;
	_ =	shalt  }
.Lfunc_end2:
_tile_overlayer_lowered:
.L_overlay_start_2:
0x12f: {  	(tag) =	ssettag $0x2  }
0x130: {  	s0 =	rddreg [dreg:$0x0];
	s2 =	stileid.u32  }
0x131: {  	s1 =	rddreg [dreg:$0x1];
	p0 =	sne.s32 s2, $0x0  }
0x132: {  	s3 =	rddreg [dreg:$0x2];
	[bflag:$0x3] =	sbarrier.arrive $0xFFFF;
	s2 =	simm.s32 @!p0 $0x1C01  }
0x133: {  	[timem:s3], [sflag:s2] =	dma.local @!p0 [hbm:s0], s1  }
0x134: {  	s0 =	simm.s32 @!p0 $0x1  }
0x135: {  	_ =	swait.ge @!p0 [sflag:s0], s1  }
0x136: {  	s1 =	ssub.s32 @!p0 $0x0, s1;
	[sflag:s0] =	ssyncset.done @!p0 $0x0  }
0x137: {  	[sflag:s0] =	ssyncadd.s32 @!p0 s1  }
0x138: {  	[bflag:$0x3] =	sbarrier.arrive $0xFFFF  }
0x139: {  	_ =	shalt  }

</sc_bundles>
